<compile_context>
chip_gen: v7x
topology: tpu7x:2x2x1
jax: 0.10.2.dev20260603
libtpu: 0.0.44.dev20260713+nightly
codegen_flags: <defaults>
</compile_context>

<pallas_src>
import functools

import jax
import jax.numpy as jnp
from jax import lax
from jax.experimental import pallas as pl
from jax.experimental.pallas import tpu as pltpu
from jax.experimental.pallas import tpu_sc as plsc

NC = 2
NS = 16
L = 16


def _rsqrt_f32(x):
    xi = plsc.bitcast(x, jnp.int32)
    y = plsc.bitcast(jnp.int32(0x5F3759DF) - (xi >> 1), jnp.float32)
    for _ in range(2):
        y = y * (1.5 - 0.5 * x * y * y)
    return y


@functools.partial(jax.jit, static_argnames=("n_nodes", "n_edges"))
def _norm_sc(ref_a, ref_b, ones, zeros, *, n_nodes, n_edges):
    eo = n_edges // (NC * NS)

    mesh = plsc.VectorSubcoreMesh(core_axis_name="c", subcore_axis_name="s")

    @functools.partial(
        pl.kernel,
        out_type=(
            jax.ShapeDtypeStruct((n_edges,), jnp.float32),
            jax.ShapeDtypeStruct((NC, n_nodes), jnp.float32),
        ),
        mesh=mesh,
        compiler_params=pltpu.CompilerParams(needs_layout_passes=False),
        scratch_types=[
            pltpu.VMEM_SHARED((n_nodes,), jnp.float32),
            pltpu.VMEM((eo,), jnp.int32),
            pltpu.VMEM((eo,), jnp.int32),
            pltpu.VMEM((eo,), jnp.int32),
            pltpu.VMEM((eo,), jnp.float32),
            pltpu.VMEM((n_nodes,), jnp.float32),
            pltpu.VMEM((n_nodes,), jnp.float32),
            pltpu.VMEM((eo,), jnp.float32),
            pltpu.SemaphoreType.DMA,
            pltpu.SemaphoreType.DMA,
            pltpu.SemaphoreType.DMA,
            pltpu.SemaphoreType.DMA,
            pltpu.SemaphoreType.DMA,
            pltpu.SemaphoreType.DMA,
            pltpu.SemaphoreType.DMA,
            pltpu.SemaphoreType.REGULAR,
        ],
    )
    def norm_kernel(a_hbm, b_hbm, ones_hbm, zeros_hbm, out_hbm, pub_hbm,
                    deg_sh, i1_v, i2_v, io_v, ones_v, down_v, doth_v, out_v,
                    sem_i1, sem_i2, sem_io, sem_ones, sem_sc,
                    sem_down, sem_doth, xsem):
        c = lax.axis_index("c")
        s = lax.axis_index("s")
        base_h = s * (2 * eo)
        base_o = base_h + c * eo

        cp_ones = pltpu.async_copy(ones_hbm, ones_v, sem_ones)

        def hist(src_hbm, oth_hbm):
            cp_i1 = pltpu.async_copy(
                src_hbm.at[pl.ds(base_h, eo)], i1_v, sem_i1)
            cp_i2 = pltpu.async_copy(
                src_hbm.at[pl.ds(base_h + eo, eo)], i2_v, sem_i2)
            cp_io = pltpu.async_copy(
                oth_hbm.at[pl.ds(base_o, eo)], io_v, sem_io)

            @pl.when(s == 0)
            def _():
                pltpu.sync_copy(zeros_hbm, deg_sh)

            plsc.subcore_barrier()

            cp_i1.wait()
            cp_ones.wait()
            sc1 = pltpu.async_copy(ones_v, deg_sh.at[i1_v], sem_sc, add=True)
            cp_i2.wait()
            sc2 = pltpu.async_copy(ones_v, deg_sh.at[i2_v], sem_sc, add=True)
            sc1.wait()
            sc2.wait()
            plsc.subcore_barrier()

            cp_down = pltpu.async_copy(deg_sh, down_v, sem_down)

            @pl.when(s == 0)
            def _():
                pltpu.sync_copy(deg_sh, pub_hbm.at[c])
                pl.semaphore_signal(xsem, 1, core_index=1 - c)
                pl.semaphore_wait(xsem, 1)

            plsc.subcore_barrier()
            cp_io.wait()
            cp_down.wait()

        @pl.when(c == 0)
        def _():
            hist(a_hbm, b_hbm)

        @pl.when(c == 1)
        def _():
            hist(b_hbm, a_hbm)

        cp_doth = pltpu.async_copy(pub_hbm.at[1 - c], doth_v, sem_doth)
        cp_doth.wait()

        def emit(own_idx_v):
            @plsc.parallel_loop(0, eo, step=L, unroll=8)
            def _(i):
                sl = pl.ds(i, L)
                down = plsc.load_gather(down_v, [own_idx_v[sl]])
                doth = plsc.load_gather(doth_v, [io_v[sl]])
                out_v[sl] = _rsqrt_f32(down * doth)

        @pl.when(c == 0)
        def _():
            emit(i1_v)

        @pl.when(c == 1)
        def _():
            emit(i2_v)

        pltpu.sync_copy(out_v, out_hbm.at[pl.ds(base_o, eo)])

    return norm_kernel(ref_a, ref_b, ones, zeros)[0]


def kernel(X, ref_a, ref_b):
    n_nodes = X.shape[0]
    n_edges = ref_a.shape[0]
    ones = jnp.ones((n_edges // (NC * NS),), jnp.float32)
    zeros = jnp.zeros((n_nodes,), jnp.float32)
    return _norm_sc(
        ref_a.astype(jnp.int32),
        ref_b.astype(jnp.int32),
        ones,
        zeros,
        n_nodes=n_nodes,
        n_edges=n_edges,
    )

# --- scband reference (transcript-rebuilt; emitter-appended) ---
"""Pipeline reference for scband-gcnpreprocess-layer-80221399155529 (READ-ONLY COPY).

The authoritative reference and input builder live on the scoring server;
editing this copy changes nothing except your own understanding.
"""

import jax, jax.numpy as jnp
import numpy as np


def wl1_neighbor_norm(X, ref_a, ref_b, normalizer):
    # GCN symmetric edge normalization: norm_e = rsqrt(deg[a_e]) * rsqrt(deg[b_e]).
    # Degrees are computed by scatter-adding ones over the edge endpoint index
    # vectors (1-WL style neighbor counting). X supplies node count and dtype.
    n_nodes = X.shape[0]
    ones = jnp.ones(ref_a.shape[0], dtype=X.dtype)
    deg_a = jnp.zeros((n_nodes,), dtype=X.dtype).at[ref_a].add(ones)
    deg_b = jnp.zeros((n_nodes,), dtype=X.dtype).at[ref_b].add(ones)
    norm = normalizer(deg_a[ref_a]) * normalizer(deg_b[ref_b])
    return norm


def setup_inputs(seed: int = 0) -> dict:
    key = jax.random.key(seed)
    k1, k2, k3 = jax.random.split(key, 3)
    n_nodes = 10000
    n_edges = 320000
    d_feat = 128
    X = jax.random.normal(k1, (n_nodes, d_feat), dtype=jnp.float32)
    ref_a = jax.random.randint(k2, (n_edges,), 0, n_nodes, dtype=jnp.int64)
    ref_b = jax.random.randint(k3, (n_edges,), 0, n_nodes, dtype=jnp.int64)
    return {"X": X, "ref_a": ref_a, "ref_b": ref_b}


def reference(X, ref_a, ref_b):
    # Original layer returns {**input, 'norm': norm}; X/ref_a/ref_b pass through
    # unchanged, so the computed quantity is the per-edge 'norm' vector.
    norm = wl1_neighbor_norm(X, ref_a, ref_b, normalizer=jax.lax.rsqrt)
    return norm

if __name__ == "__main__":
    import jax
    _d = setup_inputs()
    print(jax.jit(kernel)(*tuple(_d.values())))

</pallas_src>

<mosaic_0001>
#map = affine_map<(d0, d1) -> (0)>
#map1 = affine_map<(d0, d1) -> (0, 0)>
module attributes {stable_mosaic.version = 14 : i64} {
  func.func @norm_kernel(%arg0: i32, %arg1: i32, %arg2: memref<320000xi32, #tpu.memory_space<hbm>>, %arg3: memref<320000xi32, #tpu.memory_space<hbm>>, %arg4: memref<10000xf32, #tpu.memory_space<hbm>>, %arg5: memref<10000xf32, #tpu.memory_space<hbm>>, %arg6: memref<320000xf32, #tpu.memory_space<hbm>>, %arg7: memref<2x10000xf32, #tpu.memory_space<hbm>>, %arg8: memref<10000xf32, #tpu.memory_space<vmem_shared>>, %arg9: memref<10000xi32, #tpu.memory_space<vmem>>, %arg10: memref<10000xi32, #tpu.memory_space<vmem>>, %arg11: memref<10000xi32, #tpu.memory_space<vmem>>, %arg12: memref<10000xf32, #tpu.memory_space<vmem>>, %arg13: memref<10000xf32, #tpu.memory_space<vmem>>, %arg14: memref<10000xf32, #tpu.memory_space<vmem>>, %arg15: memref<10000xf32, #tpu.memory_space<vmem>>, %arg16: memref<!tpu.dma_semaphore, #tpu.memory_space<semaphore_mem>>, %arg17: memref<!tpu.dma_semaphore, #tpu.memory_space<semaphore_mem>>, %arg18: memref<!tpu.dma_semaphore, #tpu.memory_space<semaphore_mem>>, %arg19: memref<!tpu.dma_semaphore, #tpu.memory_space<semaphore_mem>>, %arg20: memref<!tpu.dma_semaphore, #tpu.memory_space<semaphore_mem>>, %arg21: memref<!tpu.dma_semaphore, #tpu.memory_space<semaphore_mem>>, %arg22: memref<!tpu.dma_semaphore, #tpu.memory_space<semaphore_mem>>, %arg23: memref<!tpu.semaphore, #tpu.memory_space<semaphore_mem>>) attributes {dimension_semantics = [#tpu.dimension_semantics<core_parallel>, #tpu.dimension_semantics<subcore_parallel>], iteration_bounds = array<i64: 2, 16>, scalar_prefetch = 0 : i64, scratch_operands = 16 : i64, tpu.core_type = #tpu.core_type<sc_vector_subcore>, window_params = [{transform_indices = #map}, {transform_indices = #map}, {transform_indices = #map}, {transform_indices = #map}, {transform_indices = #map}, {transform_indices = #map1}]} {
    %mul3A = arith.constant 20000 : i32
    %mul3A_0 = arith.muli %arg1, %mul3A : i32
    %mul3A_1 = arith.constant 10000 : i32
    %mul3A_2 = arith.muli %arg0, %mul3A_1 : i32
    %add3A = arith.addi %mul3A_0, %mul3A_2 : i32
    tpu.enqueue_dma source(%arg4 : memref<10000xf32, #tpu.memory_space<hbm>>) target(%arg12 : memref<10000xf32, #tpu.memory_space<vmem>>) target_semaphore(%arg19 : memref<!tpu.dma_semaphore, #tpu.memory_space<semaphore_mem>>)
    %eq3A = arith.constant 0 : i32
    %eq3A_3 = arith.cmpi eq, %arg0, %eq3A : i32
    %convert_element_type3A = arith.extui %eq3A_3 : i1 to i32
    %cond3A = arith.constant 0 : i32
    %cond3A_4 = arith.cmpi ne, %convert_element_type3A, %cond3A : i32
    scf.if %cond3A_4 {
      %dma_start3A_31 = tpu.memref_slice %arg2[%mul3A_0] : memref<320000xi32, #tpu.memory_space<hbm>> -> memref<10000xi32, #tpu.memory_space<hbm>>
      %dma_start3A_32 = tpu.memref_slice %arg2[%mul3A_0] : memref<320000xi32, #tpu.memory_space<hbm>> -> memref<10000xi32, #tpu.memory_space<hbm>>
      tpu.enqueue_dma source(%dma_start3A_32 : memref<10000xi32, #tpu.memory_space<hbm>>) target(%arg9 : memref<10000xi32, #tpu.memory_space<vmem>>) target_semaphore(%arg16 : memref<!tpu.dma_semaphore, #tpu.memory_space<semaphore_mem>>)
      %add3A_33 = arith.constant 10000 : i32
      %add3A_34 = arith.addi %mul3A_0, %add3A_33 : i32
      %dma_start3A_35 = tpu.memref_slice %arg2[%add3A_34] : memref<320000xi32, #tpu.memory_space<hbm>> -> memref<10000xi32, #tpu.memory_space<hbm>>
      %dma_start3A_36 = tpu.memref_slice %arg2[%add3A_34] : memref<320000xi32, #tpu.memory_space<hbm>> -> memref<10000xi32, #tpu.memory_space<hbm>>
      tpu.enqueue_dma source(%dma_start3A_36 : memref<10000xi32, #tpu.memory_space<hbm>>) target(%arg10 : memref<10000xi32, #tpu.memory_space<vmem>>) target_semaphore(%arg17 : memref<!tpu.dma_semaphore, #tpu.memory_space<semaphore_mem>>)
      %dma_start3A_37 = tpu.memref_slice %arg3[%add3A] : memref<320000xi32, #tpu.memory_space<hbm>> -> memref<10000xi32, #tpu.memory_space<hbm>>
      %dma_start3A_38 = tpu.memref_slice %arg3[%add3A] : memref<320000xi32, #tpu.memory_space<hbm>> -> memref<10000xi32, #tpu.memory_space<hbm>>
      tpu.enqueue_dma source(%dma_start3A_38 : memref<10000xi32, #tpu.memory_space<hbm>>) target(%arg11 : memref<10000xi32, #tpu.memory_space<vmem>>) target_semaphore(%arg18 : memref<!tpu.dma_semaphore, #tpu.memory_space<semaphore_mem>>)
      %eq3A_39 = arith.constant 0 : i32
      %eq3A_40 = arith.cmpi eq, %arg1, %eq3A_39 : i32
      %convert_element_type3A_41 = arith.extui %eq3A_40 : i1 to i32
      %cond3A_42 = arith.constant 0 : i32
      %cond3A_43 = arith.cmpi ne, %convert_element_type3A_41, %cond3A_42 : i32
      scf.if %cond3A_43 {
        "tpu.region"() ({
          %run_scoped3A = tpu.sem_alloc : memref<!tpu.dma_semaphore, #tpu.memory_space<semaphore_mem>>
          tpu.enqueue_dma source(%arg5 : memref<10000xf32, #tpu.memory_space<hbm>>) target(%arg8 : memref<10000xf32, #tpu.memory_space<vmem_shared>>) target_semaphore(%run_scoped3A : memref<!tpu.dma_semaphore, #tpu.memory_space<semaphore_mem>>)
          tpu.wait_dma2 semaphore(%run_scoped3A : memref<!tpu.dma_semaphore, #tpu.memory_space<semaphore_mem>>) src(%arg5 : memref<10000xf32, #tpu.memory_space<hbm>>) dst(%arg8 : memref<10000xf32, #tpu.memory_space<vmem_shared>>)
          tpu.yield
        }) : () -> ()
      } else {
      }
      %barrier3A = arith.constant 0 : index
      tpu.barrier barrier_id(%barrier3A)
      %dma_wait3A_44 = tpu.memref_slice %arg2[%mul3A_0] : memref<320000xi32, #tpu.memory_space<hbm>> -> memref<10000xi32, #tpu.memory_space<hbm>>
      %dma_wait3A_45 = tpu.memref_slice %arg2[%mul3A_0] : memref<320000xi32, #tpu.memory_space<hbm>> -> memref<10000xi32, #tpu.memory_space<hbm>>
      tpu.wait_dma2 semaphore(%arg16 : memref<!tpu.dma_semaphore, #tpu.memory_space<semaphore_mem>>) src(%dma_wait3A_45 : memref<10000xi32, #tpu.memory_space<hbm>>) dst(%arg9 : memref<10000xi32, #tpu.memory_space<vmem>>)
      tpu.wait_dma2 semaphore(%arg19 : memref<!tpu.dma_semaphore, #tpu.memory_space<semaphore_mem>>) src(%arg4 : memref<10000xf32, #tpu.memory_space<hbm>>) dst(%arg12 : memref<10000xf32, #tpu.memory_space<vmem>>)
      %dma_start3A_46 = arith.constant 0 : i32
      %dma_start3A_47 = tpu.memref_slice %arg8[%dma_start3A_46] : memref<10000xf32, #tpu.memory_space<vmem_shared>> -> memref<10000xf32, #tpu.memory_space<vmem_shared>>
      tpu.enqueue_indirect_dma source(%arg12 : memref<10000xf32, #tpu.memory_space<vmem>>) target(%dma_start3A_47 : memref<10000xf32, #tpu.memory_space<vmem_shared>>) offsets(%arg9 : memref<10000xi32, #tpu.memory_space<vmem>>) semaphore(%arg20 : memref<!tpu.dma_semaphore, #tpu.memory_space<semaphore_mem>>) {add = true}
      %dma_wait3A_48 = tpu.memref_slice %arg2[%add3A_34] : memref<320000xi32, #tpu.memory_space<hbm>> -> memref<10000xi32, #tpu.memory_space<hbm>>
      %dma_wait3A_49 = tpu.memref_slice %arg2[%add3A_34] : memref<320000xi32, #tpu.memory_space<hbm>> -> memref<10000xi32, #tpu.memory_space<hbm>>
      tpu.wait_dma2 semaphore(%arg17 : memref<!tpu.dma_semaphore, #tpu.memory_space<semaphore_mem>>) src(%dma_wait3A_49 : memref<10000xi32, #tpu.memory_space<hbm>>) dst(%arg10 : memref<10000xi32, #tpu.memory_space<vmem>>)
      %dma_start3A_50 = arith.constant 0 : i32
      %dma_start3A_51 = tpu.memref_slice %arg8[%dma_start3A_50] : memref<10000xf32, #tpu.memory_space<vmem_shared>> -> memref<10000xf32, #tpu.memory_space<vmem_shared>>
      tpu.enqueue_indirect_dma source(%arg12 : memref<10000xf32, #tpu.memory_space<vmem>>) target(%dma_start3A_51 : memref<10000xf32, #tpu.memory_space<vmem_shared>>) offsets(%arg10 : memref<10000xi32, #tpu.memory_space<vmem>>) semaphore(%arg20 : memref<!tpu.dma_semaphore, #tpu.memory_space<semaphore_mem>>) {add = true}
      %dma_wait3A_52 = arith.constant 0 : i32
      %dma_wait3A_53 = tpu.memref_slice %arg8[%dma_wait3A_52] : memref<10000xf32, #tpu.memory_space<vmem_shared>> -> memref<10000xf32, #tpu.memory_space<vmem_shared>>
      tpu.wait_indirect_dma semaphore(%arg20 : memref<!tpu.dma_semaphore, #tpu.memory_space<semaphore_mem>>) src(%arg12 : memref<10000xf32, #tpu.memory_space<vmem>>) dst(%dma_wait3A_53 : memref<10000xf32, #tpu.memory_space<vmem_shared>>)
      %dma_wait3A_54 = arith.constant 0 : i32
      %dma_wait3A_55 = tpu.memref_slice %arg8[%dma_wait3A_54] : memref<10000xf32, #tpu.memory_space<vmem_shared>> -> memref<10000xf32, #tpu.memory_space<vmem_shared>>
      tpu.wait_indirect_dma semaphore(%arg20 : memref<!tpu.dma_semaphore, #tpu.memory_space<semaphore_mem>>) src(%arg12 : memref<10000xf32, #tpu.memory_space<vmem>>) dst(%dma_wait3A_55 : memref<10000xf32, #tpu.memory_space<vmem_shared>>)
      %barrier3A_56 = arith.constant 0 : index
      tpu.barrier barrier_id(%barrier3A_56)
      tpu.enqueue_dma source(%arg8 : memref<10000xf32, #tpu.memory_space<vmem_shared>>) target(%arg13 : memref<10000xf32, #tpu.memory_space<vmem>>) target_semaphore(%arg21 : memref<!tpu.dma_semaphore, #tpu.memory_space<semaphore_mem>>)
      %eq3A_57 = arith.constant 0 : i32
      %eq3A_58 = arith.cmpi eq, %arg1, %eq3A_57 : i32
      %convert_element_type3A_59 = arith.extui %eq3A_58 : i1 to i32
      %cond3A_60 = arith.constant 0 : i32
      %cond3A_61 = arith.cmpi ne, %convert_element_type3A_59, %cond3A_60 : i32
      scf.if %cond3A_61 {
        "tpu.region"() ({
          %run_scoped3A = tpu.sem_alloc : memref<!tpu.dma_semaphore, #tpu.memory_space<semaphore_mem>>
          %dma_start3A_68 = arith.constant 0 : i32
          %dma_start3A_69 = tpu.memref_slice %arg7[%arg0, %dma_start3A_68] : memref<2x10000xf32, #tpu.memory_space<hbm>> -> memref<1x10000xf32, #tpu.memory_space<hbm>>
          %dma_start3A_70 = tpu.memref_squeeze %dma_start3A_69 : memref<1x10000xf32, #tpu.memory_space<hbm>> -> memref<10000xf32, #tpu.memory_space<hbm>>
          tpu.enqueue_dma source(%arg8 : memref<10000xf32, #tpu.memory_space<vmem_shared>>) target(%dma_start3A_70 : memref<10000xf32, #tpu.memory_space<hbm>>) target_semaphore(%run_scoped3A : memref<!tpu.dma_semaphore, #tpu.memory_space<semaphore_mem>>)
          %dma_wait3A_71 = arith.constant 0 : i32
          %dma_wait3A_72 = tpu.memref_slice %arg7[%arg0, %dma_wait3A_71] : memref<2x10000xf32, #tpu.memory_space<hbm>> -> memref<1x10000xf32, #tpu.memory_space<hbm>>
          %dma_wait3A_73 = tpu.memref_squeeze %dma_wait3A_72 : memref<1x10000xf32, #tpu.memory_space<hbm>> -> memref<10000xf32, #tpu.memory_space<hbm>>
          tpu.wait_dma2 semaphore(%run_scoped3A : memref<!tpu.dma_semaphore, #tpu.memory_space<semaphore_mem>>) src(%arg8 : memref<10000xf32, #tpu.memory_space<vmem_shared>>) dst(%dma_wait3A_73 : memref<10000xf32, #tpu.memory_space<hbm>>)
          tpu.yield
        }) : () -> ()
        %sub3A_65 = arith.constant 1 : i32
        %sub3A_66 = arith.subi %sub3A_65, %arg0 : i32
        %semaphore_signal3A = arith.constant 1 : i32
        tpu.sem_signal %arg23, %semaphore_signal3A core_id %sub3A_66 : memref<!tpu.semaphore, #tpu.memory_space<semaphore_mem>>
        %semaphore_wait3A = arith.constant 1 : i32
        %semaphore_wait3A_67 = arith.constant true
        tpu.sem_wait %arg23, %semaphore_wait3A : memref<!tpu.semaphore, #tpu.memory_space<semaphore_mem>>
      } else {
      }
      %barrier3A_62 = arith.constant 0 : index
      tpu.barrier barrier_id(%barrier3A_62)
      %dma_wait3A_63 = tpu.memref_slice %arg3[%add3A] : memref<320000xi32, #tpu.memory_space<hbm>> -> memref<10000xi32, #tpu.memory_space<hbm>>
      %dma_wait3A_64 = tpu.memref_slice %arg3[%add3A] : memref<320000xi32, #tpu.memory_space<hbm>> -> memref<10000xi32, #tpu.memory_space<hbm>>
      tpu.wait_dma2 semaphore(%arg18 : memref<!tpu.dma_semaphore, #tpu.memory_space<semaphore_mem>>) src(%dma_wait3A_64 : memref<10000xi32, #tpu.memory_space<hbm>>) dst(%arg11 : memref<10000xi32, #tpu.memory_space<vmem>>)
      tpu.wait_dma2 semaphore(%arg21 : memref<!tpu.dma_semaphore, #tpu.memory_space<semaphore_mem>>) src(%arg8 : memref<10000xf32, #tpu.memory_space<vmem_shared>>) dst(%arg13 : memref<10000xf32, #tpu.memory_space<vmem>>)
    } else {
    }
    %eq3A_5 = arith.constant 1 : i32
    %eq3A_6 = arith.cmpi eq, %arg0, %eq3A_5 : i32
    %convert_element_type3A_7 = arith.extui %eq3A_6 : i1 to i32
    %cond3A_8 = arith.constant 0 : i32
    %cond3A_9 = arith.cmpi ne, %convert_element_type3A_7, %cond3A_8 : i32
    scf.if %cond3A_9 {
      %dma_start3A_31 = tpu.memref_slice %arg3[%mul3A_0] : memref<320000xi32, #tpu.memory_space<hbm>> -> memref<10000xi32, #tpu.memory_space<hbm>>
      %dma_start3A_32 = tpu.memref_slice %arg3[%mul3A_0] : memref<320000xi32, #tpu.memory_space<hbm>> -> memref<10000xi32, #tpu.memory_space<hbm>>
      tpu.enqueue_dma source(%dma_start3A_32 : memref<10000xi32, #tpu.memory_space<hbm>>) target(%arg9 : memref<10000xi32, #tpu.memory_space<vmem>>) target_semaphore(%arg16 : memref<!tpu.dma_semaphore, #tpu.memory_space<semaphore_mem>>)
      %add3A_33 = arith.constant 10000 : i32
      %add3A_34 = arith.addi %mul3A_0, %add3A_33 : i32
      %dma_start3A_35 = tpu.memref_slice %arg3[%add3A_34] : memref<320000xi32, #tpu.memory_space<hbm>> -> memref<10000xi32, #tpu.memory_space<hbm>>
      %dma_start3A_36 = tpu.memref_slice %arg3[%add3A_34] : memref<320000xi32, #tpu.memory_space<hbm>> -> memref<10000xi32, #tpu.memory_space<hbm>>
      tpu.enqueue_dma source(%dma_start3A_36 : memref<10000xi32, #tpu.memory_space<hbm>>) target(%arg10 : memref<10000xi32, #tpu.memory_space<vmem>>) target_semaphore(%arg17 : memref<!tpu.dma_semaphore, #tpu.memory_space<semaphore_mem>>)
      %dma_start3A_37 = tpu.memref_slice %arg2[%add3A] : memref<320000xi32, #tpu.memory_space<hbm>> -> memref<10000xi32, #tpu.memory_space<hbm>>
      %dma_start3A_38 = tpu.memref_slice %arg2[%add3A] : memref<320000xi32, #tpu.memory_space<hbm>> -> memref<10000xi32, #tpu.memory_space<hbm>>
      tpu.enqueue_dma source(%dma_start3A_38 : memref<10000xi32, #tpu.memory_space<hbm>>) target(%arg11 : memref<10000xi32, #tpu.memory_space<vmem>>) target_semaphore(%arg18 : memref<!tpu.dma_semaphore, #tpu.memory_space<semaphore_mem>>)
      %eq3A_39 = arith.constant 0 : i32
      %eq3A_40 = arith.cmpi eq, %arg1, %eq3A_39 : i32
      %convert_element_type3A_41 = arith.extui %eq3A_40 : i1 to i32
      %cond3A_42 = arith.constant 0 : i32
      %cond3A_43 = arith.cmpi ne, %convert_element_type3A_41, %cond3A_42 : i32
      scf.if %cond3A_43 {
        "tpu.region"() ({
          %run_scoped3A = tpu.sem_alloc : memref<!tpu.dma_semaphore, #tpu.memory_space<semaphore_mem>>
          tpu.enqueue_dma source(%arg5 : memref<10000xf32, #tpu.memory_space<hbm>>) target(%arg8 : memref<10000xf32, #tpu.memory_space<vmem_shared>>) target_semaphore(%run_scoped3A : memref<!tpu.dma_semaphore, #tpu.memory_space<semaphore_mem>>)
          tpu.wait_dma2 semaphore(%run_scoped3A : memref<!tpu.dma_semaphore, #tpu.memory_space<semaphore_mem>>) src(%arg5 : memref<10000xf32, #tpu.memory_space<hbm>>) dst(%arg8 : memref<10000xf32, #tpu.memory_space<vmem_shared>>)
          tpu.yield
        }) : () -> ()
      } else {
      }
      %barrier3A = arith.constant 0 : index
      tpu.barrier barrier_id(%barrier3A)
      %dma_wait3A_44 = tpu.memref_slice %arg3[%mul3A_0] : memref<320000xi32, #tpu.memory_space<hbm>> -> memref<10000xi32, #tpu.memory_space<hbm>>
      %dma_wait3A_45 = tpu.memref_slice %arg3[%mul3A_0] : memref<320000xi32, #tpu.memory_space<hbm>> -> memref<10000xi32, #tpu.memory_space<hbm>>
      tpu.wait_dma2 semaphore(%arg16 : memref<!tpu.dma_semaphore, #tpu.memory_space<semaphore_mem>>) src(%dma_wait3A_45 : memref<10000xi32, #tpu.memory_space<hbm>>) dst(%arg9 : memref<10000xi32, #tpu.memory_space<vmem>>)
      tpu.wait_dma2 semaphore(%arg19 : memref<!tpu.dma_semaphore, #tpu.memory_space<semaphore_mem>>) src(%arg4 : memref<10000xf32, #tpu.memory_space<hbm>>) dst(%arg12 : memref<10000xf32, #tpu.memory_space<vmem>>)
      %dma_start3A_46 = arith.constant 0 : i32
      %dma_start3A_47 = tpu.memref_slice %arg8[%dma_start3A_46] : memref<10000xf32, #tpu.memory_space<vmem_shared>> -> memref<10000xf32, #tpu.memory_space<vmem_shared>>
      tpu.enqueue_indirect_dma source(%arg12 : memref<10000xf32, #tpu.memory_space<vmem>>) target(%dma_start3A_47 : memref<10000xf32, #tpu.memory_space<vmem_shared>>) offsets(%arg9 : memref<10000xi32, #tpu.memory_space<vmem>>) semaphore(%arg20 : memref<!tpu.dma_semaphore, #tpu.memory_space<semaphore_mem>>) {add = true}
      %dma_wait3A_48 = tpu.memref_slice %arg3[%add3A_34] : memref<320000xi32, #tpu.memory_space<hbm>> -> memref<10000xi32, #tpu.memory_space<hbm>>
      %dma_wait3A_49 = tpu.memref_slice %arg3[%add3A_34] : memref<320000xi32, #tpu.memory_space<hbm>> -> memref<10000xi32, #tpu.memory_space<hbm>>
      tpu.wait_dma2 semaphore(%arg17 : memref<!tpu.dma_semaphore, #tpu.memory_space<semaphore_mem>>) src(%dma_wait3A_49 : memref<10000xi32, #tpu.memory_space<hbm>>) dst(%arg10 : memref<10000xi32, #tpu.memory_space<vmem>>)
      %dma_start3A_50 = arith.constant 0 : i32
      %dma_start3A_51 = tpu.memref_slice %arg8[%dma_start3A_50] : memref<10000xf32, #tpu.memory_space<vmem_shared>> -> memref<10000xf32, #tpu.memory_space<vmem_shared>>
      tpu.enqueue_indirect_dma source(%arg12 : memref<10000xf32, #tpu.memory_space<vmem>>) target(%dma_start3A_51 : memref<10000xf32, #tpu.memory_space<vmem_shared>>) offsets(%arg10 : memref<10000xi32, #tpu.memory_space<vmem>>) semaphore(%arg20 : memref<!tpu.dma_semaphore, #tpu.memory_space<semaphore_mem>>) {add = true}
      %dma_wait3A_52 = arith.constant 0 : i32
      %dma_wait3A_53 = tpu.memref_slice %arg8[%dma_wait3A_52] : memref<10000xf32, #tpu.memory_space<vmem_shared>> -> memref<10000xf32, #tpu.memory_space<vmem_shared>>
      tpu.wait_indirect_dma semaphore(%arg20 : memref<!tpu.dma_semaphore, #tpu.memory_space<semaphore_mem>>) src(%arg12 : memref<10000xf32, #tpu.memory_space<vmem>>) dst(%dma_wait3A_53 : memref<10000xf32, #tpu.memory_space<vmem_shared>>)
      %dma_wait3A_54 = arith.constant 0 : i32
      %dma_wait3A_55 = tpu.memref_slice %arg8[%dma_wait3A_54] : memref<10000xf32, #tpu.memory_space<vmem_shared>> -> memref<10000xf32, #tpu.memory_space<vmem_shared>>
      tpu.wait_indirect_dma semaphore(%arg20 : memref<!tpu.dma_semaphore, #tpu.memory_space<semaphore_mem>>) src(%arg12 : memref<10000xf32, #tpu.memory_space<vmem>>) dst(%dma_wait3A_55 : memref<10000xf32, #tpu.memory_space<vmem_shared>>)
      %barrier3A_56 = arith.constant 0 : index
      tpu.barrier barrier_id(%barrier3A_56)
      tpu.enqueue_dma source(%arg8 : memref<10000xf32, #tpu.memory_space<vmem_shared>>) target(%arg13 : memref<10000xf32, #tpu.memory_space<vmem>>) target_semaphore(%arg21 : memref<!tpu.dma_semaphore, #tpu.memory_space<semaphore_mem>>)
      %eq3A_57 = arith.constant 0 : i32
      %eq3A_58 = arith.cmpi eq, %arg1, %eq3A_57 : i32
      %convert_element_type3A_59 = arith.extui %eq3A_58 : i1 to i32
      %cond3A_60 = arith.constant 0 : i32
      %cond3A_61 = arith.cmpi ne, %convert_element_type3A_59, %cond3A_60 : i32
      scf.if %cond3A_61 {
        "tpu.region"() ({
          %run_scoped3A = tpu.sem_alloc : memref<!tpu.dma_semaphore, #tpu.memory_space<semaphore_mem>>
          %dma_start3A_68 = arith.constant 0 : i32
          %dma_start3A_69 = tpu.memref_slice %arg7[%arg0, %dma_start3A_68] : memref<2x10000xf32, #tpu.memory_space<hbm>> -> memref<1x10000xf32, #tpu.memory_space<hbm>>
          %dma_start3A_70 = tpu.memref_squeeze %dma_start3A_69 : memref<1x10000xf32, #tpu.memory_space<hbm>> -> memref<10000xf32, #tpu.memory_space<hbm>>
          tpu.enqueue_dma source(%arg8 : memref<10000xf32, #tpu.memory_space<vmem_shared>>) target(%dma_start3A_70 : memref<10000xf32, #tpu.memory_space<hbm>>) target_semaphore(%run_scoped3A : memref<!tpu.dma_semaphore, #tpu.memory_space<semaphore_mem>>)
          %dma_wait3A_71 = arith.constant 0 : i32
          %dma_wait3A_72 = tpu.memref_slice %arg7[%arg0, %dma_wait3A_71] : memref<2x10000xf32, #tpu.memory_space<hbm>> -> memref<1x10000xf32, #tpu.memory_space<hbm>>
          %dma_wait3A_73 = tpu.memref_squeeze %dma_wait3A_72 : memref<1x10000xf32, #tpu.memory_space<hbm>> -> memref<10000xf32, #tpu.memory_space<hbm>>
          tpu.wait_dma2 semaphore(%run_scoped3A : memref<!tpu.dma_semaphore, #tpu.memory_space<semaphore_mem>>) src(%arg8 : memref<10000xf32, #tpu.memory_space<vmem_shared>>) dst(%dma_wait3A_73 : memref<10000xf32, #tpu.memory_space<hbm>>)
          tpu.yield
        }) : () -> ()
        %sub3A_65 = arith.constant 1 : i32
        %sub3A_66 = arith.subi %sub3A_65, %arg0 : i32
        %semaphore_signal3A = arith.constant 1 : i32
        tpu.sem_signal %arg23, %semaphore_signal3A core_id %sub3A_66 : memref<!tpu.semaphore, #tpu.memory_space<semaphore_mem>>
        %semaphore_wait3A = arith.constant 1 : i32
        %semaphore_wait3A_67 = arith.constant true
        tpu.sem_wait %arg23, %semaphore_wait3A : memref<!tpu.semaphore, #tpu.memory_space<semaphore_mem>>
      } else {
      }
      %barrier3A_62 = arith.constant 0 : index
      tpu.barrier barrier_id(%barrier3A_62)
      %dma_wait3A_63 = tpu.memref_slice %arg2[%add3A] : memref<320000xi32, #tpu.memory_space<hbm>> -> memref<10000xi32, #tpu.memory_space<hbm>>
      %dma_wait3A_64 = tpu.memref_slice %arg2[%add3A] : memref<320000xi32, #tpu.memory_space<hbm>> -> memref<10000xi32, #tpu.memory_space<hbm>>
      tpu.wait_dma2 semaphore(%arg18 : memref<!tpu.dma_semaphore, #tpu.memory_space<semaphore_mem>>) src(%dma_wait3A_64 : memref<10000xi32, #tpu.memory_space<hbm>>) dst(%arg11 : memref<10000xi32, #tpu.memory_space<vmem>>)
      tpu.wait_dma2 semaphore(%arg21 : memref<!tpu.dma_semaphore, #tpu.memory_space<semaphore_mem>>) src(%arg8 : memref<10000xf32, #tpu.memory_space<vmem_shared>>) dst(%arg13 : memref<10000xf32, #tpu.memory_space<vmem>>)
    } else {
    }
    %sub3A = arith.constant 1 : i32
    %sub3A_10 = arith.subi %sub3A, %arg0 : i32
    %dma_start3A = arith.constant 0 : i32
    %dma_start3A_11 = tpu.memref_slice %arg7[%sub3A_10, %dma_start3A] : memref<2x10000xf32, #tpu.memory_space<hbm>> -> memref<1x10000xf32, #tpu.memory_space<hbm>>
    %dma_start3A_12 = tpu.memref_squeeze %dma_start3A_11 : memref<1x10000xf32, #tpu.memory_space<hbm>> -> memref<10000xf32, #tpu.memory_space<hbm>>
    %dma_start3A_13 = arith.constant 0 : i32
    %dma_start3A_14 = tpu.memref_slice %arg7[%sub3A_10, %dma_start3A_13] : memref<2x10000xf32, #tpu.memory_space<hbm>> -> memref<1x10000xf32, #tpu.memory_space<hbm>>
    %dma_start3A_15 = tpu.memref_squeeze %dma_start3A_14 : memref<1x10000xf32, #tpu.memory_space<hbm>> -> memref<10000xf32, #tpu.memory_space<hbm>>
    tpu.enqueue_dma source(%dma_start3A_15 : memref<10000xf32, #tpu.memory_space<hbm>>) target(%arg14 : memref<10000xf32, #tpu.memory_space<vmem>>) target_semaphore(%arg22 : memref<!tpu.dma_semaphore, #tpu.memory_space<semaphore_mem>>)
    %dma_wait3A = arith.constant 0 : i32
    %dma_wait3A_16 = tpu.memref_slice %arg7[%sub3A_10, %dma_wait3A] : memref<2x10000xf32, #tpu.memory_space<hbm>> -> memref<1x10000xf32, #tpu.memory_space<hbm>>
    %dma_wait3A_17 = tpu.memref_squeeze %dma_wait3A_16 : memref<1x10000xf32, #tpu.memory_space<hbm>> -> memref<10000xf32, #tpu.memory_space<hbm>>
    %dma_wait3A_18 = arith.constant 0 : i32
    %dma_wait3A_19 = tpu.memref_slice %arg7[%sub3A_10, %dma_wait3A_18] : memref<2x10000xf32, #tpu.memory_space<hbm>> -> memref<1x10000xf32, #tpu.memory_space<hbm>>
    %dma_wait3A_20 = tpu.memref_squeeze %dma_wait3A_19 : memref<1x10000xf32, #tpu.memory_space<hbm>> -> memref<10000xf32, #tpu.memory_space<hbm>>
    tpu.wait_dma2 semaphore(%arg22 : memref<!tpu.dma_semaphore, #tpu.memory_space<semaphore_mem>>) src(%dma_wait3A_20 : memref<10000xf32, #tpu.memory_space<hbm>>) dst(%arg14 : memref<10000xf32, #tpu.memory_space<vmem>>)
    %eq3A_21 = arith.constant 0 : i32
    %eq3A_22 = arith.cmpi eq, %arg0, %eq3A_21 : i32
    %convert_element_type3A_23 = arith.extui %eq3A_22 : i1 to i32
    %cond3A_24 = arith.constant 0 : i32
    %cond3A_25 = arith.cmpi ne, %convert_element_type3A_23, %cond3A_24 : i32
    scf.if %cond3A_25 {
      %parallel_loop3A = arith.constant 0 : i32
      %parallel_loop3A_31 = arith.constant 10000 : i32
      %parallel_loop3A_32 = arith.constant 16 : i32
      scf.for %parallel_loop3A_33 = %parallel_loop3A to %parallel_loop3A_31 step %parallel_loop3A_32  : i32 {
        %parallel_loop3A_34 = arith.index_cast %parallel_loop3A_33 : i32 to index
        %parallel_loop3A_35 = tpu.vector_load %arg9[%parallel_loop3A_34] {strides = array<i32>} : memref<10000xi32, #tpu.memory_space<vmem>>, vector<16xi32>,
        %parallel_loop3A_36 = tpu.vector_load_idx %arg13[%parallel_loop3A_35] : memref<10000xf32, #tpu.memory_space<vmem>>[vector<16xi32>], vector<16xf32>,
        %parallel_loop3A_37 = arith.index_cast %parallel_loop3A_33 : i32 to index
        %parallel_loop3A_38 = tpu.vector_load %arg11[%parallel_loop3A_37] {strides = array<i32>} : memref<10000xi32, #tpu.memory_space<vmem>>, vector<16xi32>,
        %parallel_loop3A_39 = tpu.vector_load_idx %arg14[%parallel_loop3A_38] : memref<10000xf32, #tpu.memory_space<vmem>>[vector<16xi32>], vector<16xf32>,
        %parallel_loop3A_40 = arith.mulf %parallel_loop3A_36, %parallel_loop3A_39 : vector<16xf32>
        %parallel_loop3A_41 = vector.bitcast %parallel_loop3A_40 : vector<16xf32> to vector<16xi32>
        %parallel_loop3A_42 = arith.constant 1 : i32
        %parallel_loop3A_43 = vector.broadcast %parallel_loop3A_42 : i32 to vector<16xi32>
        %parallel_loop3A_44 = arith.shrsi %parallel_loop3A_41, %parallel_loop3A_43 : vector<16xi32>
        %parallel_loop3A_45 = arith.constant 1597463007 : i32
        %parallel_loop3A_46 = vector.broadcast %parallel_loop3A_45 : i32 to vector<16xi32>
        %parallel_loop3A_47 = arith.subi %parallel_loop3A_46, %parallel_loop3A_44 : vector<16xi32>
        %parallel_loop3A_48 = vector.bitcast %parallel_loop3A_47 : vector<16xi32> to vector<16xf32>
        %parallel_loop3A_49 = arith.constant 5.000000e-01 : f32
        %parallel_loop3A_50 = vector.broadcast %parallel_loop3A_49 : f32 to vector<16xf32>
        %parallel_loop3A_51 = arith.mulf %parallel_loop3A_50, %parallel_loop3A_40 : vector<16xf32>
        %parallel_loop3A_52 = arith.mulf %parallel_loop3A_51, %parallel_loop3A_48 : vector<16xf32>
        %parallel_loop3A_53 = arith.mulf %parallel_loop3A_52, %parallel_loop3A_48 : vector<16xf32>
        %parallel_loop3A_54 = arith.constant 1.500000e+00 : f32
        %parallel_loop3A_55 = vector.broadcast %parallel_loop3A_54 : f32 to vector<16xf32>
        %parallel_loop3A_56 = arith.subf %parallel_loop3A_55, %parallel_loop3A_53 : vector<16xf32>
        %parallel_loop3A_57 = arith.mulf %parallel_loop3A_48, %parallel_loop3A_56 : vector<16xf32>
        %parallel_loop3A_58 = arith.constant 5.000000e-01 : f32
        %parallel_loop3A_59 = vector.broadcast %parallel_loop3A_58 : f32 to vector<16xf32>
        %parallel_loop3A_60 = arith.mulf %parallel_loop3A_59, %parallel_loop3A_40 : vector<16xf32>
        %parallel_loop3A_61 = arith.mulf %parallel_loop3A_60, %parallel_loop3A_57 : vector<16xf32>
        %parallel_loop3A_62 = arith.mulf %parallel_loop3A_61, %parallel_loop3A_57 : vector<16xf32>
        %parallel_loop3A_63 = arith.constant 1.500000e+00 : f32
        %parallel_loop3A_64 = vector.broadcast %parallel_loop3A_63 : f32 to vector<16xf32>
        %parallel_loop3A_65 = arith.subf %parallel_loop3A_64, %parallel_loop3A_62 : vector<16xf32>
        %parallel_loop3A_66 = arith.mulf %parallel_loop3A_57, %parallel_loop3A_65 : vector<16xf32>
        %parallel_loop3A_67 = arith.index_cast %parallel_loop3A_33 : i32 to index
        %parallel_loop3A_68 = tpu.vector_load %arg15[%parallel_loop3A_67] {strides = array<i32>} : memref<10000xf32, #tpu.memory_space<vmem>>, vector<16xf32>,
        tpu.vector_store %arg15[%parallel_loop3A_67], %parallel_loop3A_66 {strides = array<i32>} : memref<10000xf32, #tpu.memory_space<vmem>>, vector<16xf32>,
      } {sc.loop_unroll_factor = 8 : i64, sc.parallel_access}
    } else {
    }
    %eq3A_26 = arith.constant 1 : i32
    %eq3A_27 = arith.cmpi eq, %arg0, %eq3A_26 : i32
    %convert_element_type3A_28 = arith.extui %eq3A_27 : i1 to i32
    %cond3A_29 = arith.constant 0 : i32
    %cond3A_30 = arith.cmpi ne, %convert_element_type3A_28, %cond3A_29 : i32
    scf.if %cond3A_30 {
      %parallel_loop3A = arith.constant 0 : i32
      %parallel_loop3A_31 = arith.constant 10000 : i32
      %parallel_loop3A_32 = arith.constant 16 : i32
      scf.for %parallel_loop3A_33 = %parallel_loop3A to %parallel_loop3A_31 step %parallel_loop3A_32  : i32 {
        %parallel_loop3A_34 = arith.index_cast %parallel_loop3A_33 : i32 to index
        %parallel_loop3A_35 = tpu.vector_load %arg10[%parallel_loop3A_34] {strides = array<i32>} : memref<10000xi32, #tpu.memory_space<vmem>>, vector<16xi32>,
        %parallel_loop3A_36 = tpu.vector_load_idx %arg13[%parallel_loop3A_35] : memref<10000xf32, #tpu.memory_space<vmem>>[vector<16xi32>], vector<16xf32>,
        %parallel_loop3A_37 = arith.index_cast %parallel_loop3A_33 : i32 to index
        %parallel_loop3A_38 = tpu.vector_load %arg11[%parallel_loop3A_37] {strides = array<i32>} : memref<10000xi32, #tpu.memory_space<vmem>>, vector<16xi32>,
        %parallel_loop3A_39 = tpu.vector_load_idx %arg14[%parallel_loop3A_38] : memref<10000xf32, #tpu.memory_space<vmem>>[vector<16xi32>], vector<16xf32>,
        %parallel_loop3A_40 = arith.mulf %parallel_loop3A_36, %parallel_loop3A_39 : vector<16xf32>
        %parallel_loop3A_41 = vector.bitcast %parallel_loop3A_40 : vector<16xf32> to vector<16xi32>
        %parallel_loop3A_42 = arith.constant 1 : i32
        %parallel_loop3A_43 = vector.broadcast %parallel_loop3A_42 : i32 to vector<16xi32>
        %parallel_loop3A_44 = arith.shrsi %parallel_loop3A_41, %parallel_loop3A_43 : vector<16xi32>
        %parallel_loop3A_45 = arith.constant 1597463007 : i32
        %parallel_loop3A_46 = vector.broadcast %parallel_loop3A_45 : i32 to vector<16xi32>
        %parallel_loop3A_47 = arith.subi %parallel_loop3A_46, %parallel_loop3A_44 : vector<16xi32>
        %parallel_loop3A_48 = vector.bitcast %parallel_loop3A_47 : vector<16xi32> to vector<16xf32>
        %parallel_loop3A_49 = arith.constant 5.000000e-01 : f32
        %parallel_loop3A_50 = vector.broadcast %parallel_loop3A_49 : f32 to vector<16xf32>
        %parallel_loop3A_51 = arith.mulf %parallel_loop3A_50, %parallel_loop3A_40 : vector<16xf32>
        %parallel_loop3A_52 = arith.mulf %parallel_loop3A_51, %parallel_loop3A_48 : vector<16xf32>
        %parallel_loop3A_53 = arith.mulf %parallel_loop3A_52, %parallel_loop3A_48 : vector<16xf32>
        %parallel_loop3A_54 = arith.constant 1.500000e+00 : f32
        %parallel_loop3A_55 = vector.broadcast %parallel_loop3A_54 : f32 to vector<16xf32>
        %parallel_loop3A_56 = arith.subf %parallel_loop3A_55, %parallel_loop3A_53 : vector<16xf32>
        %parallel_loop3A_57 = arith.mulf %parallel_loop3A_48, %parallel_loop3A_56 : vector<16xf32>
        %parallel_loop3A_58 = arith.constant 5.000000e-01 : f32
        %parallel_loop3A_59 = vector.broadcast %parallel_loop3A_58 : f32 to vector<16xf32>
        %parallel_loop3A_60 = arith.mulf %parallel_loop3A_59, %parallel_loop3A_40 : vector<16xf32>
        %parallel_loop3A_61 = arith.mulf %parallel_loop3A_60, %parallel_loop3A_57 : vector<16xf32>
        %parallel_loop3A_62 = arith.mulf %parallel_loop3A_61, %parallel_loop3A_57 : vector<16xf32>
        %parallel_loop3A_63 = arith.constant 1.500000e+00 : f32
        %parallel_loop3A_64 = vector.broadcast %parallel_loop3A_63 : f32 to vector<16xf32>
        %parallel_loop3A_65 = arith.subf %parallel_loop3A_64, %parallel_loop3A_62 : vector<16xf32>
        %parallel_loop3A_66 = arith.mulf %parallel_loop3A_57, %parallel_loop3A_65 : vector<16xf32>
        %parallel_loop3A_67 = arith.index_cast %parallel_loop3A_33 : i32 to index
        %parallel_loop3A_68 = tpu.vector_load %arg15[%parallel_loop3A_67] {strides = array<i32>} : memref<10000xf32, #tpu.memory_space<vmem>>, vector<16xf32>,
        tpu.vector_store %arg15[%parallel_loop3A_67], %parallel_loop3A_66 {strides = array<i32>} : memref<10000xf32, #tpu.memory_space<vmem>>, vector<16xf32>,
      } {sc.loop_unroll_factor = 8 : i64, sc.parallel_access}
    } else {
    }
    "tpu.region"() ({
      %run_scoped3A = tpu.sem_alloc : memref<!tpu.dma_semaphore, #tpu.memory_space<semaphore_mem>>
      %dma_start3A_31 = tpu.memref_slice %arg6[%add3A] : memref<320000xf32, #tpu.memory_space<hbm>> -> memref<10000xf32, #tpu.memory_space<hbm>>
      %dma_start3A_32 = tpu.memref_slice %arg6[%add3A] : memref<320000xf32, #tpu.memory_space<hbm>> -> memref<10000xf32, #tpu.memory_space<hbm>>
      tpu.enqueue_dma source(%arg15 : memref<10000xf32, #tpu.memory_space<vmem>>) target(%dma_start3A_32 : memref<10000xf32, #tpu.memory_space<hbm>>) target_semaphore(%run_scoped3A : memref<!tpu.dma_semaphore, #tpu.memory_space<semaphore_mem>>)
      %dma_wait3A_33 = tpu.memref_slice %arg6[%add3A] : memref<320000xf32, #tpu.memory_space<hbm>> -> memref<10000xf32, #tpu.memory_space<hbm>>
      %dma_wait3A_34 = tpu.memref_slice %arg6[%add3A] : memref<320000xf32, #tpu.memory_space<hbm>> -> memref<10000xf32, #tpu.memory_space<hbm>>
      tpu.wait_dma2 semaphore(%run_scoped3A : memref<!tpu.dma_semaphore, #tpu.memory_space<semaphore_mem>>) src(%arg15 : memref<10000xf32, #tpu.memory_space<vmem>>) dst(%dma_wait3A_34 : memref<10000xf32, #tpu.memory_space<hbm>>)
      tpu.yield
    }) : () -> ()
    return
  }
}

</mosaic_0001>

<sc_bundles>
// kernel: _norm_sc.3.cloned.1.call-start
scs
__scs_entry_jumppad:
0x0: {  	(pc) =	sbr.rel $0x88, $3  }
0x1: {  	(tag) =	ssettag $0x0;
	lr =	simm.s32 $0x1  }
0x2: {  	[smem:$0x3F9D] =	sst lr;
	_ =	strace $0xD0000000  }
0x3: {  	_ = 	snop  }
0x4: {  	_ = 	snop  }
0x5: {  	_ = 	snop  }
0x6: {  	_ = 	snop  }
0x7: {  	_ = 	snop  }
__scs_overlays_trampoline_lowered:
0x8: {  	[smem:$0x3FAC] =	sst s0  }
0x9: {  	[smem:$0x3FAD] =	sst s1  }
0xa: {  	[smem:$0x3FAE] =	sst s2  }
0xb: {  	[smem:$0x3FAF] =	sst s3  }
0xc: {  	[smem:$0x3FB0] =	sst s4  }
0xd: {  	[smem:$0x3FB1] =	sst s5  }
0xe: {  	[smem:$0x3FB2] =	sst s6  }
0xf: {  	[smem:$0x3FB3] =	sst s7  }
0x10: {  	[smem:$0x3FB4] =	sst s8  }
0x11: {  	[smem:$0x3FB5] =	sst s9;
	s0 =	simm.s32 @!p0 $0x0  }
0x12: {  	s1 =	sld [smem:$0x3F9B];
	s0 =	simm.s32 @p0 $0x1  }
0x13: {  	[smem:$0x3FB6] =	sst s0;
	s0 =	simm.s32 @!p1 $0x0  }
0x14: {  	s2 =	sld [smem:$0x3F9A];
	s0 =	simm.s32 @p1 $0x1  }
0x15: {  	[smem:$0x3FB7] =	sst s0;
	s0 =	simm.s32 @!p2 $0x0  }
0x16: {  	s3 =	sld [smem:$0x3FDB];
	s0 =	simm.s32 @p2 $0x1  }
0x17: {  	s4 =	simm.s32 $0x1BF5;
	[smem:$0x3FB9] =	sst s0  }
0x18: {  	s0 =	sld [smem:$0x3F9C];
	_ =	swait.ge [sflag:s4], $0x0  }
0x19: {  	s7 =	sld [smem:$0x3F9D]  }
0x1a: {  	s8 =	sadd.s32 $0xFFFFE003, lr  }
0x1b: {  	s9 =	sadd.s32 $0xFFFFFEF7, lr;
	s5 =	simm.s32 $0xFFFFFFFF;
	p2 =	slt.u32 s8, $0xFFFFF086  }
0x1c: {  	p1 =	slt.u32 s9, $0xF7A;
	s5 =	simm.s32 @!p2 $0x0  }
0x1d: {  	s5 =	simm.s32 @p1 $0x1;
	p0 =	seq.s32 s7, s2  }
0x1e: {  	s7 =	smul.u32 @!p0 $0xF7A, s2;
	p2 =	seq.s32 @!p0 s5, $0x0  }
0x1f: {  	s9 =	smul.u32 $0xF7A, s1;
	s8 =	simm.s32 @!p0 $0x1BF5;
	p2 =	por !p2, p0  }
0x20: {  	[sflag:s8] =	ssyncset.s32 @!p0 $0xFFFFF086;
	s6 =	sadd.s32 @!p0 s3, s7;
	s7 =	simm.s32 @!p0 $0x108  }
0x21: {  	s3 =	sadd.s32 s3, s9;
	s6 =	sadd.s32 @!p0 $0x88, s6;
	s7 =	simm.s32 @p2 $0x1082  }
0x22: {  	[simem:s7], [sflag:s8] =	dma.local @!p0 [hbm:s6], $0xF7A  }
0x23: {  	s9 =	sor.u32 $0xD0000000, s2;
	s6 =	simm.s32 $0x108;
	_ =	swait.ge @!p0 [sflag:s8], $0x0  }
0x24: {  	s3 =	sadd.s32 $0x88, s3;
	s6 =	simm.s32 @!p1 $0x1082;
	[sflag:s4] =	ssyncset.s32 $0xFFFFF086  }
0x25: {  	[simem:s6], [sflag:s4] =	dma.local [hbm:s3], $0xF7A  }
0x26: {  	[smem:$0x3F9D] =	sst s1;
	(tag) =	ssettag s2;
	_ =	strace s9  }
0x27: {  	s1 =	sld [smem:$0x3FAD]  }
0x28: {  	s2 =	sld [smem:$0x3FAE]  }
0x29: {  	s4 =	sld [smem:$0x3FB0]  }
0x2a: {  	p0 =	seq.s32 s5, $0x0;
	s5 =	sld [smem:$0x3FB1]  }
0x2b: {  	s6 =	sld [smem:$0x3FB2]  }
0x2c: {  	s7 =	sld [smem:$0x3FB3]  }
0x2d: {  	s3 =	simm.s32 $0x108;
	s8 =	sld [smem:$0x3FB4]  }
0x2e: {  	s3 =	simm.s32 @!p0 $0x1082;
	s9 =	sld [smem:$0x3FB5]  }
0x2f: {  	lr =	sadd.s32 s0, s3;
	s0 =	sld [smem:$0x3FAC]  }
0x30: {  	s3 =	sld [smem:$0x3FAF]  }
0x31: {  	[smem:$0x3FB8] =	sst s10  }
0x32: {  	s10 =	sld [smem:$0x3FB6];
	_ =	sdelay $0x3  }
0x33: {  	p0 =	seq.s32 s10, $0x1;
	s10 =	sld [smem:$0x3FB8];
	_ =	sdelay $0x3  }
0x34: {  	[smem:$0x3FB8] =	sst s10  }
0x35: {  	s10 =	sld [smem:$0x3FB7];
	_ =	sdelay $0x3  }
0x36: {  	p1 =	seq.s32 s10, $0x1;
	s10 =	sld [smem:$0x3FB8];
	_ =	sdelay $0x3  }
0x37: {  	[smem:$0x3FB8] =	sst s10  }
0x38: {  	s10 =	sld [smem:$0x3FB9]  }
0x39: {  	_ = 	snop;
	(pc) =	sbr.ind lr, $3  }
0x3a: {  	_ = 	snop  }
0x3b: {  	_ = 	snop  }
0x3c: {  	p2 =	seq.s32 s10, $0x1;
	s10 =	sld [smem:$0x3FB8]  }
0x3d: {  	_ =	shalt  }
0x3e: {  	_ =	shalt  }
0x3f: {  	_ =	shalt  }
0x40: {  	_ =	shalt  }
0x41: {  	_ =	shalt  }
0x42: {  	_ =	shalt  }
0x43: {  	_ =	shalt  }
0x44: {  	_ =	shalt  }
0x45: {  	_ =	shalt  }
0x46: {  	_ =	shalt  }
0x47: {  	_ =	shalt  }
0x48: {  	_ =	shalt  }
0x49: {  	_ =	shalt  }
0x4a: {  	_ =	shalt  }
0x4b: {  	_ =	shalt  }
0x4c: {  	_ =	shalt  }
0x4d: {  	_ =	shalt  }
0x4e: {  	_ =	shalt  }
0x4f: {  	_ =	shalt  }
0x50: {  	_ =	shalt  }
0x51: {  	_ =	shalt  }
0x52: {  	_ =	shalt  }
0x53: {  	_ =	shalt  }
0x54: {  	_ =	shalt  }
0x55: {  	_ =	shalt  }
0x56: {  	_ =	shalt  }
0x57: {  	_ =	shalt  }
0x58: {  	_ =	shalt  }
0x59: {  	_ =	shalt  }
0x5a: {  	_ =	shalt  }
0x5b: {  	_ =	shalt  }
0x5c: {  	_ =	shalt  }
0x5d: {  	_ =	shalt  }
0x5e: {  	_ =	shalt  }
0x5f: {  	_ =	shalt  }
0x60: {  	_ =	shalt  }
0x61: {  	_ =	shalt  }
0x62: {  	_ =	shalt  }
0x63: {  	_ =	shalt  }
0x64: {  	_ =	shalt  }
0x65: {  	_ =	shalt  }
0x66: {  	_ =	shalt  }
0x67: {  	_ =	shalt  }
0x68: {  	_ =	shalt  }
0x69: {  	_ =	shalt  }
0x6a: {  	_ =	shalt  }
0x6b: {  	_ =	shalt  }
0x6c: {  	_ =	shalt  }
0x6d: {  	_ =	shalt  }
0x6e: {  	_ =	shalt  }
0x6f: {  	_ =	shalt  }
0x70: {  	_ =	shalt  }
0x71: {  	_ =	shalt  }
0x72: {  	_ =	shalt  }
0x73: {  	_ =	shalt  }
0x74: {  	_ =	shalt  }
0x75: {  	_ =	shalt  }
0x76: {  	_ =	shalt  }
0x77: {  	_ =	shalt  }
0x78: {  	_ =	shalt  }
0x79: {  	_ =	shalt  }
0x7a: {  	_ =	shalt  }
0x7b: {  	_ =	shalt  }
0x7c: {  	_ =	shalt  }
0x7d: {  	_ =	shalt  }
0x7e: {  	_ =	shalt  }
0x7f: {  	_ =	shalt  }
0x80: {  	_ =	shalt  }
0x81: {  	_ =	shalt  }
0x82: {  	_ =	shalt  }
0x83: {  	_ =	shalt  }
0x84: {  	_ =	shalt  }
0x85: {  	_ =	shalt  }
0x86: {  	_ =	shalt  }
0x87: {  	_ =	shalt  }
.Lfunc_end0:
.L_simem_size_0:
called_computation_lowered:
.L_overlay_start_0:
0x88: {  	s2 =	sld [smem:$0x3FD9]  }
0x89: {  	s3 =	sld [smem:$0x3FFE];
	_ =	sdelay $0x1  }
0x8a: {  	s1 =	srdreg.scid  }
0x8b: {  	s0 =	sand.u32 $0x1, s1  }
0x8c: {  	s17 =	sshll.u32 s0, $0xA;
	s2 =	sadd.s32 s3, s2  }
0x8d: {  	s2 =	sadd.s32 s2, s17  }
0x8e: {  	[smem:$0x3FC4] =	sst s2  }
0x8f: {  	_ = 	snop  }
0x90: {  	s2 =	sld [smem:$0x3FC9]  }
0x91: {  	s18 =	sld [smem:$0x3FC8]  }
0x92: {  	s4 =	sld [smem:$0x3FC7]  }
0x93: {  	s5 =	sld [smem:$0x3FC6]  }
0x94: {  	s6 =	sld [smem:$0x3FD0];
	(tm) =	ssettm $0x1  }
0x95: {  	s7 =	sld [smem:$0x3FFB];
	_ =	sdelay $0x3  }
0x96: {  	_ =	strace s7  }
0x97: {  	s7 =	sld [smem:$0x3FFC];
	_ =	sdelay $0x3  }
0x98: {  	_ =	strace s7  }
0x99: {  	s7 =	sld [smem:$0x3FFD];
	_ =	sdelay $0x3  }
0x9a: {  	_ =	strace s7  }
0x9b: {  	_ =	strace $0x8FFFFFFF  }
0x9c: {  	s19 =	sld [smem:$0x3FDB];
	_ =	sdelay $0x1  }
0x9d: {  	s8 =	simm.s32 $_scs_section_size  }
0x9e: {  	s9 =	simm.s32 $_size__tile_overlayer_lowered;
	s10 =	simm.s32 $_tile_overlayer_lowered  }
0x9f: {  	s22 =	simm.s32 $0x1BFF;
	s21 =	sshll.u32 s10, $0x1;
	s7 =	sadd.s32 s8, s19  }
0xa0: {  	s11 =	simm.s32 $0x0;
	s20 =	sshll.u32 s9, $0x1;
	s9 =	sadd.s32 s21, s7  }
0xa1: {  	[timem:s11], [sflag:s22] =	dma.local [hbm:s9], s20  }
0xa2: {  	_ =	swait.ge [sflag:s22], s20  }
0xa3: {  	s8 =	ssub.s32 $0x0, s20;
	[sflag:s22] =	ssyncset.done $0x0  }
0xa4: {  	[sflag:s22] =	ssyncadd.s32 s8;
	_ =	sdelay $0x1  }
0xa5: {  	s23 =	simm.s32 $0x1B8B  }
0xa6: {  	_ =	swait.ge [sflag:s23], $0x1  }
0xa7: {  	[sflag:s23] =	ssyncset.done $0x0  }
0xa8: {  	s25 =	simm.s32 $0x1B8E;
	s24 =	sld [smem:$0x3FFE];
	[sflag:s23] =	ssyncadd.s32 $0xFFFFFFFF  }
0xa9: {  	s26 =	simm.s32 $execute0_lowered;
	[smem:$0x3FD2] =	sst s25  }
0xaa: {  	s9 =	sshll.u32 s26, $0x1;
	_ =	strace $0x80000046;
	[dreg:$0x1] =	wrdreg $0xFFFFFFFF  }
0xab: {  	s28 =	simm.s32 $_size_execute0_lowered;
	s7 =	sadd.s32 s7, s9;
	[dreg:$0x0] =	wrdreg $0x0  }
0xac: {  	s9 =	sshll.u32 s28, $0x1;
	[dreg:$0x2] =	wrdreg s7  }
0xad: {  	[dreg:$0x3] =	wrdreg s9  }
0xae: {  	[dreg:$0x4] =	wrdreg $0xC0  }
0xaf: {  	_ =	task [dreg:s11], $0x5FFFF  }
0xb0: {  	[dreg:$0x1] =	wrdreg $0xFFFFFFFF  }
0xb1: {  	[dreg:$0x0] =	wrdreg $0x60  }
0xb2: {  	[dreg:$0x2] =	wrdreg s2  }
0xb3: {  	[dreg:$0x3] =	wrdreg s18  }
0xb4: {  	[dreg:$0x4] =	wrdreg s4  }
0xb5: {  	[dreg:$0x5] =	wrdreg s5  }
0xb6: {  	[dreg:$0x6] =	wrdreg s6  }
0xb7: {  	[dreg:$0x7] =	wrdreg s24  }
0xb8: {  	[dreg:$0x8] =	wrdreg $0x0  }
0xb9: {  	[dreg:$0x9] =	wrdreg $0x9  }
0xba: {  	_ =	task.clear_ibuf [dreg:s11], $0xAFFFF;
	_ =	strace $0x90000046  }
0xbb: {  	s29 =	simm.s32 $0x9;
	_ =	strace $0x80000048  }
0xbc: {  	_ =	swait.ge [sflag:s29], $0x1  }
0xbd: {  	[sflag:s29] =	ssyncadd.s32 $0xFFFFFFFF  }
0xbe: {  	_ =	strace $0x90000048  }
0xbf: {  	_ =	sfence  }
0xc0: {  	s30 =	sld [smem:$0x0];
	_ =	sdelay $0x2  }
0xc1: {  	s31 =	sshll.u32 s1, $0xD;
	s1 =	sshrl.u32 s1, $0x2  }
0xc2: {  	s3 =	sand.u32 $0x4000, s31;
	s1 =	sadd.s32 s1, s30  }
0xc3: {  	s0 =	sor.u32 s3, s0;
	s1 =	sshll.u32 s1, $0x11  }
0xc4: {  	s0 =	sor.u32 s1, s0  }
0xc5: {  	s0 =	sadd.s32 $0x8F2B, s0  }
0xc6: {  	[sflag:s0] =	ssyncadd.remote.s32 $0x1  }
0xc7: {  	_ =	sfence.sel $0xFFFF  }
0xc8: {  	[dreg:$0x0] =	wrdreg $0xFFFFFFFF;
	(pc) =	sbr.abs _section_cstart, $3  }
0xc9: {  	[dreg:$0x1] =	wrdreg $0xFFFFFFFF  }
0xca: {  	_ =	task.clear_ibuf [dreg:s11], $0x2FFFF;
	_ =	strace $0x9FFFFFFF  }
0xcb: {  	(tm) =	ssettm $0x7FFFFFFF  }
tec
execute0_lowered:
.L_overlay_start_1:
0x0: {  	(tag) =	ssettag $0x1  }
0x1: {  	s0 =	rddreg [dreg:$0x0]  }
0x2: {  	s1 =	rddreg [dreg:$0x1]  }
0x3: {  	s2 =	rddreg [dreg:$0x4]  }
0x4: {  	s7 =	rddreg [dreg:$0x5]  }
0x5: {  	s3 =	rddreg [dreg:$0x6];
	s4 =	simm.s32 $0x0;
	s8 =	srdreg.scid  }
0x6: {  	s9 =	stileid.u32;
	s18 =	simm.s32 $0x78F8;
	s19 =	simm.s32 $0x278  }
0x7: {  	s28 =	simm.s32 $0xA078;
	s30 =	simm.s32 $0x8;
	s31 =	simm.s32 $0x3  }
0x8: {  	s29 =	simm.s32 $0x6;
	[smem:$0x7FF] =	sst s4;
	s10 =	sand.u32 $0x1, s8  }
0x9: {  	s6 =	smul.u32 $0x4E20, s9;
	s5 =	sadd.s32 $0x800, s7;
	s7 =	sadd.s32 $0x810, s7  }
0xa: {  	s22 =	sand.u32 $0x2, s8;
	s8 =	sshrl.u32 s8, $0x2;
	p0 =	sne.s32 s9, $0x0  }
0xb: {  	_ =	strace $0x80000047;
	s11 =	ssub.s32 $0x2, s10;
	[dreg:$0xa] =	wrdreg s7  }
0xc: {  	s12 =	smul.u32 $0x2710, s10;
	[dreg:$0xb] =	wrdreg s8;
	s23 =	sor.u32 $0x4, s22  }
0xd: {  	s24 =	sshll.u32 s10, $0x4;
	p1 =	sne.s32 s10, $0x0;
	s10 =	simm.s32 $0xC7F8  }
0xe: {  	s13 =	sshrl.u32 s11, $0x1;
	s14 =	sshrl.u32 s6, $0x3;
	[dreg:$0xc] =	wrdreg s23  }
0xf: {  	s26 =	sxor.u32 $0x10, s24;
	s23 =	simm.s32 $0x4;
	s24 =	simm.s32 $0x2710  }
0x10: {  	s11 =	ssub.s32 s11, s13;
	s12 =	sadd.s32 s12, s6;
	s20 =	sadd.s32 $0x4E2, s14  }
0x11: {  	s6 =	sadd.s32 s1, s14;
	s25 =	sadd.s32 s0, s14;
	s14 =	sor.u32 $0x5, s22  }
0x12: {  	s15 =	sadd.s32 s5, s26;
	s22 =	simm.s32 $0x1;
	s26 =	simm.s32 $0x5  }
.Ltmp0:
0x13: {  	s1 =	sadd.s32 s1, s20;
	s21 =	sshrl.u32 s12, $0x3;
	(pc) =	sbr.rel .LBB2_1-.Ltmp0, $4  }
0x14: {  	[dreg:$0xd] =	wrdreg s25;
	s13 =	sadd.s32 s0, s20;
	s17 =	smax.u32 s11, $0x1  }
0x15: {  	s20 =	simm.s32 $0x29F8;
	s25 =	simm.s32 $0x2;
	[dreg:$0x8] =	wrdreg s1  }
0x16: {  	s12 =	sadd.s32 s0, s21;
	s16 =	sadd.s32 s2, s21;
	s0 =	simm.s32 $0x9  }
0x17: {  	s1 =	simm.s32 $0x7;
	s21 =	simm.s32 $0x0;
	[dreg:$0x9] =	wrdreg s12  }
.LBB2_12:
0x18: {  	v37 =	vmul.f32 v37, v39  }
0x19: {  	v12 =	vmul.f32 v43, v12;
	v4 =	vmul.f32 v28, v4  }
0x1a: {  	v32 =	vmul.f32 v32, v21;
	v20 =	vmul.f32 v20, v31  }
0x1b: {  	v41 =	vmul.f32 v5, v41;
	v15 =	vmul.f32 v38, v15  }
0x1c: {  	v17 =	vld.idx.msk [tilespmem:v17+s28+$0x0], $0xffff;
	v33 =	vmul.f32 v33, v34;
	v29 =	vmul.f32 v29, v6  }
0x1d: {  	v59 =	vsub.s32 $0x5F3759DF, v44;
	v16 =	vld.idx.msk [tilespmem:v16+s10+$0x0], $0xffff;
	v8 =	vmul.f32 v25, v8;
	v46 =	vmul.f32 v1, v27  }
0x1e: {  	v30 =	vld.idx.msk [tilespmem:v30+s28+$0x0], $0xffff;
	v42 =	vsub.f32 $1.500000000e+00, v42;
	v60 =	vmul.f32 v59, v22;
	v61 =	vmul.f32 $5.000000000e-01, v37  }
0x1f: {  	v36 =	vld.idx.msk [tilespmem:v36+s10+$0x0], $0xffff;
	v37 =	vshra.s32 v37, $0x1;
	v4 =	vmul.f32 v4, v28;
	v32 =	vsub.f32 $1.500000000e+00, v32  }
0x20: {  	v62 =	vld.idx.msk [tilespmem:v35+s28+$0x0], $0xffff;
	v38 =	vsub.f32 $1.500000000e+00, v41;
	v9 =	vmul.f32 v9, v42;
	v10 =	vmul.f32 v20, v10  }
0x21: {  	v18 =	vld.idx.msk [tilespmem:v18+s10+$0x0], $0xffff;
	v52 =	vshra.s32 v33, $0x1;
	v33 =	vmul.f32 $5.000000000e-01, v33;
	v37 =	vsub.s32 $0x5F3759DF, v37  }
0x22: {  	v23 =	vld.idx.msk [tilespmem:v23+s10+$0x0], $0xffff;
	v29 =	vsub.f32 $1.500000000e+00, v29;
	v43 =	vmul.f32 v59, v60;
	v63 =	vmul.f32 v37, v61  }
0x23: {  	v19 =	vld.idx.msk [tilespmem:v19+s28+$0x0], $0xffff;
	v21 =	vmul.f32 v32, v21;
	v5 =	vmul.f32 v5, v38  }
0x24: {  	v2 =	vmul.f32 v9, v2;
	v56 =	vmul.f32 v29, v6  }
0x25: {  	v10 =	vmul.f32 v10, v20;
	v17 =	vmul.f32 v40, v17  }
0x26: {  	v4 =	vsub.f32 $1.500000000e+00, v4;
	v16 =	vmul.f32 v16, v30;
	v31 =	vmul.f32 v36, v62  }
0x27: {  	v40 =	vsub.f32 $1.500000000e+00, v43;
	v11 =	vmul.f32 v18, v11;
	v43 =	vmul.f32 v7, v26  }
0x28: {  	v19 =	vmul.f32 v23, v19;
	v35 =	vmul.f32 v37, v63  }
0x29: {  	v26 =	vsub.f32 $1.500000000e+00, v46;
	v4 =	vmul.f32 v4, v28;
	v14 =	vmul.f32 v5, v14  }
0x2a: {  	v2 =	vmul.f32 v2, v9;
	v10 =	vsub.f32 $1.500000000e+00, v10;
	v41 =	vshra.s32 v17, $0x1  }
0x2b: {  	v32 =	vmul.f32 $5.000000000e-01, v16;
	v30 =	vmul.f32 $5.000000000e-01, v31;
	v16 =	vshra.s32 v16, $0x1  }
0x2c: {  	v45 =	vshra.s32 v11, $0x1;
	v11 =	vmul.f32 $5.000000000e-01, v11;
	v25 =	vmul.f32 v59, v40  }
0x2d: {  	v48 =	vshra.s32 v19, $0x1;
	v19 =	vmul.f32 $5.000000000e-01, v19;
	v17 =	vmul.f32 $5.000000000e-01, v17  }
0x2e: {  	v18 =	vsub.f32 $1.500000000e+00, v43;
	v57 =	vshra.s32 v31, $0x1;
	v59 =	vmul.f32 v1, v26  }
0x2f: {  	v28 =	vsub.s32 $0x5F3759DF, v41;
	v23 =	vsub.s32 $0x5F3759DF, v45;
	v16 =	vsub.s32 $0x5F3759DF, v16  }
0x30: {  	v34 =	vsub.s32 $0x5F3759DF, v48;
	v14 =	vmul.f32 v14, v5;
	v10 =	vmul.f32 v10, v20  }
0x31: {  	v35 =	vsub.f32 $1.500000000e+00, v35;
	v47 =	vmul.f32 v23, v11;
	v49 =	vmul.f32 v25, v22  }
0x32: {  	v58 =	vsub.s32 $0x5F3759DF, v57;
	v50 =	vmul.f32 v34, v19;
	v51 =	vmul.f32 v16, v32  }
0x33: {  	v2 =	vsub.f32 $1.500000000e+00, v2;
	v54 =	vmul.f32 v7, v18;
	v60 =	vmul.f32 v58, v30  }
0x34: {  	v62 =	vmul.f32 v28, v17;
	v13 =	vmul.f32 v59, v13  }
0x35: {  	v55 =	vmul.f32 v37, v35;
	v2 =	vmul.f32 v2, v9  }
0x36: {  	v27 =	vmul.f32 v23, v47;
	v22 =	vmul.f32 v49, v25  }
0x37: {  	v36 =	vmul.f32 v34, v50;
	v3 =	vmul.f32 v54, v3  }
0x38: {  	v53 =	vsub.s32 $0x5F3759DF, v52;
	v63 =	vmul.f32 v16, v51;
	v40 =	vmul.f32 v13, v59  }
0x39: {  	v14 =	vsub.f32 $1.500000000e+00, v14;
	v45 =	vmul.f32 v58, v60;
	v46 =	vmul.f32 v28, v62  }
0x3a: {  	v35 =	vmul.f32 v55, v61;
	v61 =	vmul.f32 v53, v33  }
0x3b: {  	[tilespmem:s9+$0xFFFFFFC0] =	vst v0;
	v5 =	vmul.f32 v14, v5;
	v27 =	vsub.f32 $1.500000000e+00, v27;
	v22 =	vsub.f32 $1.500000000e+00, v22  }
0x3c: {  	[tilespmem:s11+$0xFFFFFFC0] =	vst v24;
	v39 =	vsub.f32 $1.500000000e+00, v36;
	v3 =	vmul.f32 v3, v54;
	v43 =	vsub.f32 $1.500000000e+00, v63  }
0x3d: {  	[tilespmem:s9+$0xFFFFFFD0] =	vst v12;
	v44 =	vsub.f32 $1.500000000e+00, v40;
	v29 =	vmul.f32 v53, v61;
	v42 =	vmul.f32 v35, v55  }
0x3e: {  	[tilespmem:s9+$0xFFFFFFF0] =	vst v15;
	v7 =	vsub.f32 $1.500000000e+00, v45;
	v23 =	vmul.f32 v23, v27;
	v22 =	vmul.f32 v22, v25  }
0x3f: {  	[tilespmem:s9+$0x10] =	vst v8;
	v6 =	vsub.f32 $1.500000000e+00, v46;
	v0 =	vmul.f32 v34, v39;
	v1 =	vmul.f32 v44, v59  }
0x40: {  	[tilespmem:s9+$0xFFFFFFE0] =	vst v21;
	v3 =	vsub.f32 $1.500000000e+00, v3;
	v48 =	vmul.f32 v16, v43;
	v7 =	vmul.f32 v58, v7  }
0x41: {  	[tilespmem:s11+$0x20] =	vst v56;
	v6 =	vmul.f32 v28, v6;
	v11 =	vmul.f32 v23, v11  }
0x42: {  	[tilespmem:s9+$0x0] =	vst v4;
	v3 =	vmul.f32 v3, v54;
	v49 =	vmul.f32 v0, v19  }
0x43: {  	[tilespmem:s11+$0xFFFFFFD0] =	vst v10;
	v41 =	vsub.f32 $1.500000000e+00, v29;
	v50 =	vmul.f32 v48, v32;
	v54 =	vmul.f32 v7, v30  }
0x44: {  	[tilespmem:s11+$0xFFFFFFF0] =	vst v2;
	v51 =	vsub.f32 $1.500000000e+00, v42;
	v56 =	vmul.f32 v6, v17;
	v11 =	vmul.f32 v11, v23  }
0x45: {  	s2 =	sadd.s32 $0x80, s2;
	[tilespmem:s11+$0x10] =	vst v5;
	v13 =	vmul.f32 v53, v41;
	v52 =	vmul.f32 v49, v0  }
0x46: {  	[tilespmem:s2+$0x30] =	vst v22;
	v2 =	vmul.f32 v51, v55;
	v10 =	vmul.f32 v50, v48;
	v53 =	vsub.f32 $1.500000000e+00, v11  }
0x47: {  	[tilespmem:s11+$0x0] =	vst v1;
	v5 =	vmul.f32 v54, v7;
	v47 =	vmul.f32 v13, v33;
	v55 =	vsub.f32 $1.500000000e+00, v52  }
0x48: {  	[tilespmem:s11+$0xFFFFFFE0] =	vst v3;
	v59 =	vmul.f32 v56, v6;
	v57 =	vsub.f32 $1.500000000e+00, v10;
	v9 =	vmul.f32 v53, v23  }
0x49: {  	[tilespmem:s2+$0x20] =	vst v2;
	v60 =	vsub.f32 $1.500000000e+00, v5;
	v12 =	vmul.f32 v47, v13;
	v0 =	vmul.f32 v55, v0  }
0x4a: {  	v61 =	vsub.f32 $1.500000000e+00, v59;
	v1 =	vmul.f32 v57, v48;
	[tilespmem:s2+$0xFFFFFFC0] =	vst v9  }
0x4b: {  	v63 =	vmul.f32 v60, v7;
	v58 =	vsub.f32 $1.500000000e+00, v12;
	[tilespmem:s2+$0xFFFFFFD0] =	vst v0  }
0x4c: {  	[tilespmem:s2+$0xFFFFFFF0] =	vst v1;
	v0 =	vmul.f32 v61, v6  }
0x4d: {  	[tilespmem:s2+$0xFFFFFFE0] =	vst v63;
	v62 =	vmul.f32 v58, v13  }
0x4e: {  	[tilespmem:s2+$0x0] =	vst v0  }
0x4f: {  	[tilespmem:s2+$0x10] =	vst v62;
	s2 =	simm.s32 $0x29F8  }
.LBB2_13:
0x50: {  	v0 =	vld [tilespmem:s2+$0x2700]  }
0x51: {  	v1 =	vld [tilespmem:$0x7878];
	_ =	sdelay $0x6  }
0x52: {  	v0 =	vld.idx.msk [tilespmem:v0+s28+$0x0], $0xffff  }
0x53: {  	v1 =	vld.idx.msk [tilespmem:v1+s10+$0x0], $0xffff;
	_ =	sdelay $0x4  }
0x54: {  	v0 =	vmul.f32 v1, v0;
	_ =	sdelay $0x1  }
0x55: {  	v1 =	vshra.s32 v0, $0x1;
	v0 =	vmul.f32 $5.000000000e-01, v0  }
0x56: {  	v1 =	vsub.s32 $0x5F3759DF, v1  }
0x57: {  	v2 =	vmul.f32 v1, v0;
	_ =	sdelay $0x1  }
0x58: {  	v2 =	vmul.f32 v1, v2;
	_ =	sdelay $0x1  }
0x59: {  	v2 =	vsub.f32 $1.500000000e+00, v2;
	_ =	sdelay $0x1  }
0x5a: {  	v1 =	vmul.f32 v1, v2;
	_ =	sdelay $0x1  }
0x5b: {  	v0 =	vmul.f32 v1, v0;
	_ =	sdelay $0x1  }
0x5c: {  	v0 =	vmul.f32 v0, v1;
	_ =	sdelay $0x1  }
0x5d: {  	v0 =	vsub.f32 $1.500000000e+00, v0;
	_ =	sdelay $0x1  }
0x5e: {  	s21 =	sadd.s32 $0x1, s21;
	v0 =	vmul.f32 v0, v1  }
0x5f: {  	p2 =	sne.s32 s21, s17  }
.Ltmp1:
0x60: {  	s12 =	simm.s32 $0xEF78;
	[tilespmem:$0x11678] =	vst v0;
	(pc) =	sbr.rel @!p2 .LBB2_14-.Ltmp1, $4  }
0x61: {  	[hbm4b:s16+s4] =	stream.linear.scatter [tilespmem:s12], [sflag:$0x9], $0x2710, $0x38;
	[tilespmem:$0x116F8] =	vst v63  }
0x62: {  	_ =	swait.ge [sflag:s0], $0x2710  }
0x63: {  	[sflag:s0] =	ssyncset.done $0x0  }
0x64: {  	[sflag:s0] =	ssyncadd.s32 $0xFFFFD8F0  }
.LBB2_1:
.Ltmp2:
0x65: {  	(pc) =	sbr.rel @p1 .LBB2_3-.Ltmp2, $4  }
0x66: {  	_ = 	snop  }
0x67: {  	s2 =	rddreg [dreg:$0x2]  }
0x68: {  	[tilespmem:s18], [sflag:$0x4] =	stream.linear.gather [hbm4b:s2+s4], $0x2780, $0x38;
	[tilespmem:$0x116F8] =	vst v63  }
0x69: {  	s2 =	sshrl.u32 @!p0 s3, $0x3  }
0x6a: {  	s7 =	rddreg [dreg:$0xd]  }
0x6b: {  	[tilespmem:s19], [sflag:$0x1] =	stream.linear.gather [hbm4b:s7+s4], $0x2710, $0x38;
	[tilespmem:$0x116F8] =	vst v63  }
0x6c: {  	_ = 	snop  }
0x6d: {  	[tilespmem:s20], [sflag:$0x2] =	stream.linear.gather [hbm4b:s13+s4], $0x2710, $0x38;
	[tilespmem:$0x116F8] =	vst v63  }
0x6e: {  	s12 =	simm.s32 $0x5178;
	s8 =	rddreg [dreg:$0x3];
	s7 =	simm.s32 @!p0 $0x1C09  }
0x6f: {  	[tilespmem:s12], [sflag:$0x3] =	stream.linear.gather [hbm4b:s6+s4], $0x2710, $0x38;
	[tilespmem:$0x116F8] =	vst v63  }
0x70: {  	[spmem:s2], [sflag:s7] =	dma.local @!p0 [hbm:s8], $0x4F0  }
0x71: {  	s2 =	simm.s32 @!p0 $0x9  }
0x72: {  	_ =	swait.ge @!p0 [sflag:s2], $0x4F0  }
0x73: {  	[sflag:s2] =	ssyncset.done @!p0 $0x0  }
0x74: {  	[sflag:s2] =	ssyncadd.s32 @!p0 $0xFFFFFB10  }
0x75: {  	[bflag:$0x0] =	sbarrier.arrive $0xFFFF  }
0x76: {  	_ =	swait.ge [sflag:s22], $0x2710  }
0x77: {  	[sflag:s22] =	ssyncset.done $0x0  }
0x78: {  	[sflag:s22] =	ssyncadd.s32 $0xFFFFD8F0  }
0x79: {  	_ =	swait.ge [sflag:s23], $0x2780  }
0x7a: {  	[sflag:s23] =	ssyncset.done $0x0  }
0x7b: {  	[sflag:s23] =	ssyncadd.s32 $0xFFFFD880  }
0x7c: {  	[spmem:s3] =	stream.indirect.scatter.add.f32 [tilespmem:s18], [sflag:$0x5], $0x1, s19, s24, $0xb8;
	[tilespmem:$0x116F8] =	vst v63  }
0x7d: {  	_ =	swait.ge [sflag:s25], $0x2710  }
0x7e: {  	[sflag:s25] =	ssyncset.done $0x0  }
0x7f: {  	[sflag:s25] =	ssyncadd.s32 $0xFFFFD8F0  }
0x80: {  	[spmem:s3] =	stream.indirect.scatter.add.f32 [tilespmem:s18], [sflag:$0x5], $0x1, s20, s24, $0xb8;
	[tilespmem:$0x116F8] =	vst v63  }
0x81: {  	_ =	swait.ge [sflag:s26], $0x2710  }
0x82: {  	[sflag:s26] =	ssyncset.done $0x0  }
0x83: {  	[sflag:s26] =	ssyncadd.s32 $0xFFFFD8F0  }
.Ltmp3:
0x84: {  	_ =	swait.ge [sflag:s26], $0x2710;
	(pc) =	sbr.rel @p0 .LBB2_6-.Ltmp3, $4  }
.Ltmp4:
0x85: {  	[sflag:s26] =	ssyncset.done $0x0;
	(pc) =	sbr.rel @!p0 .LBB2_5-.Ltmp4, $4  }
0x86: {  	[sflag:s26] =	ssyncadd.s32 $0xFFFFD8F0  }
0x87: {  	s7 =	smov.u32 s5;
	s2 =	smov.u32 s14;
	[bflag:$0x0] =	sbarrier.arrive $0xFFFF  }
0x88: {  	[tilespmem:s28], [sflag:$0x6] =	stream.linear.gather [spmem:s3], $0x2780, $0x38;
	[tilespmem:$0x116F8] =	vst v63  }
0x89: {  	_ = 	snop  }
.LBB2_3:
0x8a: {  	[tilespmem:s19], [sflag:$0x1] =	stream.linear.gather [hbm4b:s6+s4], $0x2710, $0x38;
	[tilespmem:$0x116F8] =	vst v63  }
0x8b: {  	s7 =	rddreg [dreg:$0x8]  }
0x8c: {  	[tilespmem:s20], [sflag:$0x2] =	stream.linear.gather [hbm4b:s7+s4], $0x2710, $0x38;
	[tilespmem:$0x116F8] =	vst v63  }
0x8d: {  	s12 =	rddreg [dreg:$0x9];
	s8 =	simm.s32 $0x5178  }
0x8e: {  	[tilespmem:s8], [sflag:$0x3] =	stream.linear.gather [hbm4b:s12+s4], $0x2710, $0x38;
	[tilespmem:$0x116F8] =	vst v63  }
0x8f: {  	s7 =	simm.s32 @!p0 $0x1C09;
	s8 =	rddreg [dreg:$0x3]  }
0x90: {  	[spmem:s2], [sflag:s7] =	dma.local @!p0 [hbm:s8], $0x4F0  }
0x91: {  	s2 =	simm.s32 @!p0 $0x9  }
0x92: {  	_ =	swait.ge @!p0 [sflag:s2], $0x4F0  }
0x93: {  	[sflag:s2] =	ssyncset.done @!p0 $0x0  }
0x94: {  	[sflag:s2] =	ssyncadd.s32 @!p0 $0xFFFFFB10  }
0x95: {  	[bflag:$0x0] =	sbarrier.arrive $0xFFFF  }
0x96: {  	_ =	swait.ge [sflag:s22], $0x2710  }
0x97: {  	[sflag:s22] =	ssyncset.done $0x0  }
0x98: {  	[sflag:s22] =	ssyncadd.s32 $0xFFFFD8F0  }
0x99: {  	_ =	swait.ge [sflag:s23], $0x2780  }
0x9a: {  	[sflag:s23] =	ssyncset.done $0x0  }
0x9b: {  	[sflag:s23] =	ssyncadd.s32 $0xFFFFD880  }
0x9c: {  	[spmem:s3] =	stream.indirect.scatter.add.f32 [tilespmem:s18], [sflag:$0x5], $0x1, s19, s24, $0xb8;
	[tilespmem:$0x116F8] =	vst v63  }
0x9d: {  	_ =	swait.ge [sflag:s25], $0x2710  }
0x9e: {  	[sflag:s25] =	ssyncset.done $0x0  }
0x9f: {  	[sflag:s25] =	ssyncadd.s32 $0xFFFFD8F0  }
0xa0: {  	[spmem:s3] =	stream.indirect.scatter.add.f32 [tilespmem:s18], [sflag:$0x5], $0x1, s20, s24, $0xb8;
	[tilespmem:$0x116F8] =	vst v63  }
0xa1: {  	_ =	swait.ge [sflag:s26], $0x2710  }
0xa2: {  	[sflag:s26] =	ssyncset.done $0x0  }
0xa3: {  	[sflag:s26] =	ssyncadd.s32 $0xFFFFD8F0  }
.Ltmp5:
0xa4: {  	_ =	swait.ge [sflag:s26], $0x2710;
	(pc) =	sbr.rel @p0 .LBB2_6-.Ltmp5, $4  }
0xa5: {  	[sflag:s26] =	ssyncset.done $0x0  }
0xa6: {  	[sflag:s26] =	ssyncadd.s32 $0xFFFFD8F0  }
0xa7: {  	[bflag:$0x0] =	sbarrier.arrive $0xFFFF  }
0xa8: {  	[tilespmem:s28], [sflag:$0x6] =	stream.linear.gather [spmem:s3], $0x2780, $0x38;
	[tilespmem:$0x116F8] =	vst v63  }
0xa9: {  	s7 =	rddreg [dreg:$0xa]  }
0xaa: {  	s2 =	rddreg [dreg:$0xc]  }
.LBB2_5:
0xab: {  	s8 =	sshrl.u32 s3, $0x3  }
0xac: {  	s9 =	simm.s32 $0x20;
	s11 =	simm.s32 $0x10;
	s12 =	simm.s32 $0x1C09  }
0xad: {  	[hbm:s7@s9], [sflag:s12] =	dma.strided [spmem:s8@s11], $0x4F0, s22, $0x10   }
0xae: {  	_ =	swait.ge [sflag:s0], $0x4F0  }
0xaf: {  	[sflag:s0] =	ssyncset.done $0x0  }
0xb0: {  	s9 =	simm.s32 $0x100000;
	[sflag:s0] =	ssyncadd.s32 $0xFFFFFB10  }
0xb1: {  	[smem:s9], [sflag:$0x0] =	smem.add.s32 $0x0  }
0xb2: {  	_ =	swait.done [sflag:s4]  }
0xb3: {  	s11 =	ssyncread [sflag:$0x0];
	_ =	sdelay $0x1  }
0xb4: {  	s12 =	rddreg [dreg:$0xb]  }
0xb5: {  	s7 =	sadd.s32 s12, s11  }
0xb6: {  	s2 =	sshll.u32 s2, $0xE;
	s7 =	sshll.u32 s7, $0x11  }
0xb7: {  	[sflag:s4] =	ssyncset.s32 $0x0;
	s2 =	sor.u32 s7, s2  }
0xb8: {  	[sflag:s4] =	ssyncset.done $0x0;
	s2 =	sor.u32 $0x1C08, s2  }
0xb9: {  	[sflag:s2] =	ssyncadd.remote.s32 $0x1  }
0xba: {  	_ =	swait.ge [sflag:s30], $0x1  }
0xbb: {  	[sflag:s30] =	ssyncset.done $0x0  }
0xbc: {  	[sflag:s30] =	ssyncadd.s32 $0xFFFFFFFF  }
.LBB2_6:
0xbd: {  	[bflag:$0x0] =	sbarrier.arrive $0xFFFF  }
0xbe: {  	_ =	swait.ge [sflag:s31], $0x2710  }
0xbf: {  	[sflag:s31] =	ssyncset.done $0x0  }
0xc0: {  	[sflag:s31] =	ssyncadd.s32 $0xFFFFD8F0  }
0xc1: {  	_ =	swait.ge [sflag:s29], $0x2780  }
0xc2: {  	s2 =	simm.s32 $0x80;
	[sflag:s29] =	ssyncset.done $0x0  }
.Ltmp6:
0xc3: {  	s7 =	simm.s32 $0x100;
	[sflag:s29] =	ssyncadd.s32 $0xFFFFD880;
	(pc) =	sbr.rel @p1 .LBB2_10-.Ltmp6, $4  }
0xc4: {  	[tilespmem:s10], [sflag:$0x7] =	stream.strided.gather [hbm4b:s15+s2], $0x2780, s7, s2, $0x38;
	[tilespmem:$0x116F8] =	vst v63  }
0xc5: {  	_ =	swait.ge [sflag:s1], $0x2780  }
0xc6: {  	s8 =	simm.s32 $0x2B8;
	s9 =	simm.s32 $0xEFB8;
	[sflag:s1] =	ssyncset.done $0x0  }
0xc7: {  	s7 =	simm.s32 $0x2A38;
	s2 =	simm.s32 $0x51B8;
	[sflag:s1] =	ssyncadd.s32 $0xFFFFD880  }
0xc8: {  	v0 =	vld [tilespmem:s8+$0x20]  }
0xc9: {  	v1 =	vld [tilespmem:s8+$0xFFFFFFC0]  }
0xca: {  	v2 =	vld [tilespmem:s2+$0xFFFFFFF0]  }
0xcb: {  	v3 =	vld [tilespmem:s8+$0x0]  }
0xcc: {  	v4 =	vld [tilespmem:s2+$0x0]  }
0xcd: {  	v5 =	vld [tilespmem:s8+$0x10]  }
0xce: {  	v6 =	vld [tilespmem:s2+$0x30]  }
0xcf: {  	v7 =	vld [tilespmem:s8+$0x30]  }
0xd0: {  	v8 =	vld [tilespmem:s2+$0x20]  }
0xd1: {  	v9 =	vld [tilespmem:s2+$0xFFFFFFC0]  }
0xd2: {  	v10 =	vld [tilespmem:s8+$0xFFFFFFD0]  }
0xd3: {  	v11 =	vld [tilespmem:s2+$0xFFFFFFD0]  }
0xd4: {  	v12 =	vld [tilespmem:s2+$0x10]  }
0xd5: {  	v13 =	vld [tilespmem:s8+$0xFFFFFFF0]  }
0xd6: {  	v14 =	vld [tilespmem:s2+$0xFFFFFFE0]  }
0xd7: {  	v15 =	vld [tilespmem:s8+$0xFFFFFFE0];
	s12 =	simm.s32 $0x338  }
0xd8: {  	v16 =	vld [tilespmem:s12+$0x20]  }
0xd9: {  	s7 =	simm.s32 $0x5238;
	v17 =	vld [tilespmem:s12+$0xFFFFFFC0]  }
0xda: {  	v18 =	vld [tilespmem:s7+$0xFFFFFFF0]  }
0xdb: {  	v19 =	vld [tilespmem:s7+$0x0]  }
0xdc: {  	v1 =	vld.idx.msk [tilespmem:v1+s28+$0x0], $0xffff  }
0xdd: {  	v6 =	vld.idx.msk [tilespmem:v6+s10+$0x0], $0xffff  }
0xde: {  	v7 =	vld.idx.msk [tilespmem:v7+s28+$0x0], $0xffff  }
0xdf: {  	v8 =	vld.idx.msk [tilespmem:v8+s10+$0x0], $0xffff  }
0xe0: {  	v0 =	vld.idx.msk [tilespmem:v0+s28+$0x0], $0xffff  }
0xe1: {  	v12 =	vld.idx.msk [tilespmem:v12+s10+$0x0], $0xffff  }
0xe2: {  	v5 =	vld.idx.msk [tilespmem:v5+s28+$0x0], $0xffff  }
0xe3: {  	v4 =	vld.idx.msk [tilespmem:v4+s10+$0x0], $0xffff  }
0xe4: {  	v3 =	vld.idx.msk [tilespmem:v3+s28+$0x0], $0xffff  }
0xe5: {  	v2 =	vld.idx.msk [tilespmem:v2+s10+$0x0], $0xffff  }
0xe6: {  	v13 =	vld.idx.msk [tilespmem:v13+s28+$0x0], $0xffff  }
0xe7: {  	v14 =	vld.idx.msk [tilespmem:v14+s10+$0x0], $0xffff  }
0xe8: {  	v9 =	vld.idx.msk [tilespmem:v9+s10+$0x0], $0xffff  }
0xe9: {  	v15 =	vld.idx.msk [tilespmem:v15+s28+$0x0], $0xffff  }
0xea: {  	v11 =	vld.idx.msk [tilespmem:v11+s10+$0x0], $0xffff  }
0xeb: {  	v10 =	vld.idx.msk [tilespmem:v10+s28+$0x0], $0xffff  }
0xec: {  	v26 =	vld [tilespmem:s12+$0x30];
	v6 =	vmul.f32 v6, v7;
	v0 =	vmul.f32 v8, v0  }
0xed: {  	v21 =	vld [tilespmem:s7+$0x30];
	v1 =	vmul.f32 v9, v1;
	v3 =	vmul.f32 v4, v3  }
0xee: {  	v29 =	vld [tilespmem:s12+$0xFFFFFFD0];
	v5 =	vmul.f32 v12, v5;
	v2 =	vmul.f32 v2, v13  }
0xef: {  	v30 =	vld [tilespmem:s7+$0xFFFFFFD0];
	v14 =	vmul.f32 v14, v15;
	v20 =	vshra.s32 v6, $0x1;
	v6 =	vmul.f32 $5.000000000e-01, v6  }
0xf0: {  	v33 =	vld [tilespmem:s7+$0xFFFFFFE0];
	v10 =	vmul.f32 v11, v10;
	v23 =	vshra.s32 v0, $0x1;
	v20 =	vsub.s32 $0x5F3759DF, v20  }
0xf1: {  	v9 =	vld [tilespmem:s7+$0x20];
	v0 =	vmul.f32 $5.000000000e-01, v0;
	v4 =	vshra.s32 v1, $0x1;
	v22 =	vmul.f32 v20, v6  }
0xf2: {  	v34 =	vld [tilespmem:s12+$0xFFFFFFE0];
	v1 =	vmul.f32 $5.000000000e-01, v1;
	v25 =	vmul.f32 $5.000000000e-01, v14;
	v23 =	vsub.s32 $0x5F3759DF, v23  }
0xf3: {  	v7 =	vld [tilespmem:s12+$0x0];
	v12 =	vsub.s32 $0x5F3759DF, v4;
	v24 =	vmul.f32 v23, v0;
	v22 =	vmul.f32 v20, v22  }
0xf4: {  	v11 =	vld.idx.msk [tilespmem:v26+s28+$0x0], $0xffff;
	v26 =	vshra.s32 v10, $0x1;
	v4 =	vshra.s32 v3, $0x1;
	v13 =	vmul.f32 v12, v1  }
0xf5: {  	v8 =	vld [tilespmem:s12+$0x10];
	v31 =	vmul.f32 v23, v24;
	v24 =	vmul.f32 $5.000000000e-01, v2;
	v28 =	vsub.f32 $1.500000000e+00, v22  }
0xf6: {  	v15 =	vld [tilespmem:s7+$0x10];
	v2 =	vshra.s32 v2, $0x1;
	v22 =	vsub.s32 $0x5F3759DF, v4;
	v4 =	vmul.f32 v12, v13  }
0xf7: {  	v10 =	vmul.f32 $5.000000000e-01, v10;
	v13 =	vld.idx.msk [tilespmem:v21+s10+$0x0], $0xffff;
	v21 =	vsub.s32 $0x5F3759DF, v2;
	v2 =	vmul.f32 v20, v28  }
0xf8: {  	v20 =	vsub.f32 $1.500000000e+00, v4;
	v4 =	vmul.f32 $5.000000000e-01, v3;
	v3 =	vld.idx.msk [tilespmem:v16+s28+$0x0], $0xffff;
	v16 =	vsub.s32 $0x5F3759DF, v26  }
0xf9: {  	v9 =	vld.idx.msk [tilespmem:v9+s10+$0x0], $0xffff;
	v26 =	vsub.f32 $1.500000000e+00, v31;
	v31 =	vmul.f32 v21, v24;
	v28 =	vmul.f32 v16, v10  }
0xfa: {  	v27 =	vld.idx.msk [tilespmem:v17+s28+$0x0], $0xffff;
	v6 =	vmul.f32 v2, v6;
	v12 =	vmul.f32 v12, v20  }
0xfb: {  	v32 =	vshra.s32 v5, $0x1;
	v20 =	vld [tilespmem:s12+$0xFFFFFFF0];
	v26 =	vmul.f32 v23, v26;
	v23 =	vmul.f32 $5.000000000e-01, v5  }
0xfc: {  	v17 =	vld [tilespmem:s7+$0xFFFFFFC0];
	v14 =	vshra.s32 v14, $0x1;
	v6 =	vmul.f32 v6, v2;
	v1 =	vmul.f32 v12, v1  }
0xfd: {  	v52 =	vld.idx.msk [tilespmem:v34+s28+$0x0], $0xffff;
	v35 =	vsub.s32 $0x5F3759DF, v14;
	v14 =	vmul.f32 v22, v4;
	v28 =	vmul.f32 v16, v28  }
0xfe: {  	v15 =	vld.idx.msk [tilespmem:v15+s10+$0x0], $0xffff;
	v3 =	vmul.f32 v9, v3;
	v5 =	vsub.f32 $1.500000000e+00, v6;
	v1 =	vmul.f32 v1, v12  }
0xff: {  	v6 =	vld.idx.msk [tilespmem:v8+s28+$0x0], $0xffff;
	v8 =	vmul.f32 v26, v0;
	v0 =	vmul.f32 v13, v11  }
0x100: {  	v32 =	vsub.s32 $0x5F3759DF, v32;
	v9 =	vld.idx.msk [tilespmem:v18+s10+$0x0], $0xffff;
	v13 =	vmul.f32 v35, v25;
	v38 =	vmul.f32 v5, v2  }
0x101: {  	v1 =	vsub.f32 $1.500000000e+00, v1;
	v2 =	vld.idx.msk [tilespmem:v7+s28+$0x0], $0xffff;
	v5 =	vshra.s32 v0, $0x1;
	v7 =	vmul.f32 $5.000000000e-01, v0  }
0x102: {  	v11 =	vld.idx.msk [tilespmem:v19+s10+$0x0], $0xffff;
	v19 =	vmul.f32 v21, v31;
	v36 =	vmul.f32 $5.000000000e-01, v3;
	v18 =	vsub.s32 $0x5F3759DF, v5  }
0x103: {  	v0 =	vmul.f32 v1, v12;
	v1 =	vld.idx.msk [tilespmem:v20+s28+$0x0], $0xffff;
	v5 =	vmul.f32 v18, v7;
	v12 =	vshra.s32 v3, $0x1  }
0x104: {  	v40 =	vmul.f32 v8, v26;
	v3 =	vld.idx.msk [tilespmem:v33+s10+$0x0], $0xffff;
	v20 =	vmul.f32 v32, v23;
	v31 =	vsub.s32 $0x5F3759DF, v12  }
0x105: {  	v30 =	vld.idx.msk [tilespmem:v30+s10+$0x0], $0xffff;
	v12 =	vsub.f32 $1.500000000e+00, v28;
	v6 =	vmul.f32 v15, v6;
	v5 =	vmul.f32 v18, v5  }
0x106: {  	v29 =	vld.idx.msk [tilespmem:v29+s28+$0x0], $0xffff;
	s7 =	simm.s32 $0x3B8;
	v28 =	vmul.f32 v31, v36;
	v20 =	vmul.f32 v32, v20  }
0x107: {  	v43 =	vld [tilespmem:s7+$0x30];
	v19 =	vsub.f32 $1.500000000e+00, v19;
	v53 =	vmul.f32 v11, v2;
	v12 =	vmul.f32 v16, v12  }
0x108: {  	v11 =	vld.idx.msk [tilespmem:v17+s10+$0x0], $0xffff;
	v15 =	vshra.s32 v6, $0x1;
	v37 =	vsub.f32 $1.500000000e+00, v5;
	v28 =	vmul.f32 v31, v28  }
0x109: {  	s8 =	simm.s32 $0x52B8;
	v39 =	vld [tilespmem:s7+$0x20];
	v5 =	vmul.f32 v9, v1;
	v9 =	vsub.f32 $1.500000000e+00, v20;
	v33 =	vmul.f32 v3, v52  }
0x10a: {  	v44 =	vld [tilespmem:s8+$0x0];
	v1 =	vshra.s32 v53, $0x1;
	v55 =	vmul.f32 v12, v10;
	v45 =	vmul.f32 v18, v37  }
0x10b: {  	v56 =	vld [tilespmem:s8+$0x20];
	v2 =	vmul.f32 $5.000000000e-01, v5;
	v41 =	vshra.s32 v5, $0x1;
	v8 =	vmul.f32 v32, v9  }
0x10c: {  	v50 =	vld [tilespmem:s8+$0x10];
	v5 =	vsub.s32 $0x5F3759DF, v15;
	v3 =	vmul.f32 $5.000000000e-01, v33;
	v15 =	vmul.f32 v21, v19  }
0x10d: {  	v20 =	vld [tilespmem:s7+$0xFFFFFFC0];
	v1 =	vsub.s32 $0x5F3759DF, v1;
	v21 =	vmul.f32 v35, v13;
	v9 =	vmul.f32 v11, v27  }
0x10e: {  	v28 =	vsub.f32 $1.500000000e+00, v28;
	v13 =	vmul.f32 v30, v29;
	v29 =	vmul.f32 v22, v14;
	v30 =	vld [tilespmem:s8+$0x30]  }
0x10f: {  	v42 =	vld [tilespmem:s7+$0x10];
	v62 =	vmul.f32 v55, v12;
	v11 =	vshra.s32 v9, $0x1;
	v27 =	vmul.f32 $5.000000000e-01, v9  }
0x110: {  	v59 =	vld.idx.msk [tilespmem:v43+s28+$0x0], $0xffff;
	v7 =	vmul.f32 v45, v7;
	v23 =	vmul.f32 v8, v23;
	v14 =	vsub.s32 $0x5F3759DF, v11  }
0x111: {  	v39 =	vld.idx.msk [tilespmem:v39+s28+$0x0], $0xffff;
	v18 =	vshra.s32 v13, $0x1;
	v10 =	vmul.f32 $5.000000000e-01, v13;
	v19 =	vmul.f32 v14, v27  }
0x112: {  	v16 =	vld [tilespmem:s8+$0xFFFFFFF0];
	v13 =	vmul.f32 $5.000000000e-01, v53;
	v21 =	vsub.f32 $1.500000000e+00, v21;
	v24 =	vmul.f32 v15, v24  }
0x113: {  	v17 =	vld [tilespmem:s7+$0x0];
	v54 =	vshra.s32 v33, $0x1;
	v48 =	vmul.f32 v7, v45;
	v57 =	vmul.f32 v14, v19  }
0x114: {  	v33 =	vld.idx.msk [tilespmem:v50+s10+$0x0], $0xffff;
	v9 =	vsub.s32 $0x5F3759DF, v41;
	v46 =	vmul.f32 v23, v8;
	v21 =	vmul.f32 v35, v21  }
0x115: {  	v47 =	vmul.f32 v9, v2;
	v24 =	vmul.f32 v24, v15;
	v11 =	vld.idx.msk [tilespmem:v20+s28+$0x0], $0xffff;
	v37 =	vsub.f32 $1.500000000e+00, v57  }
0x116: {  	v20 =	vsub.s32 $0x5F3759DF, v18;
	v32 =	vmul.f32 v21, v25;
	v51 =	vld.idx.msk [tilespmem:v30+s10+$0x0], $0xffff;
	v30 =	vsub.f32 $1.500000000e+00, v40  }
0x117: {  	v43 =	vsub.f32 $1.500000000e+00, v62;
	v23 =	vld [tilespmem:s8+$0xFFFFFFD0];
	v58 =	vmul.f32 v20, v10;
	v49 =	vmul.f32 v14, v37  }
0x118: {  	v35 =	vld [tilespmem:s7+$0xFFFFFFE0];
	v60 =	vsub.f32 $1.500000000e+00, v48;
	v61 =	vmul.f32 v30, v26;
	v14 =	vmul.f32 $5.000000000e-01, v6  }
0x119: {  	v7 =	vsub.s32 $0x5F3759DF, v54;
	v30 =	vld [tilespmem:s7+$0xFFFFFFF0];
	v6 =	vmul.f32 v31, v28;
	v27 =	vmul.f32 v49, v27  }
0x11a: {  	v45 =	vmul.f32 v60, v45;
	v34 =	vmul.f32 v20, v58;
	v37 =	vld.idx.msk [tilespmem:v56+s10+$0x0], $0xffff;
	v28 =	vsub.f32 $1.500000000e+00, v29  }
0x11b: {  	v25 =	vsub.f32 $1.500000000e+00, v46;
	v29 =	vmul.f32 v6, v36;
	v36 =	vld [tilespmem:s8+$0xFFFFFFE0];
	v26 =	vmul.f32 v27, v49  }
0x11c: {  	v31 =	vsub.f32 $1.500000000e+00, v34;
	v34 =	vld.idx.msk [tilespmem:v42+s28+$0x0], $0xffff;
	v42 =	vmul.f32 v9, v47;
	v28 =	vmul.f32 v22, v28  }
0x11d: {  	s2 =	simm.s32 $0xF038;
	[tilespmem:s9+$0x30] =	vst v38;
	v18 =	vld [tilespmem:s8+$0xFFFFFFC0];
	v63 =	vmul.f32 v51, v59;
	v41 =	vmul.f32 v5, v14;
	v22 =	vsub.f32 $1.500000000e+00, v26  }
0x11e: {  	v38 =	vsub.f32 $1.500000000e+00, v24;
	v19 =	vld [tilespmem:s7+$0xFFFFFFD0];
	[tilespmem:s2+$0x30] =	vst v45;
	v27 =	vmul.f32 v1, v13;
	v26 =	vmul.f32 v7, v3  }
0x11f: {  	s11 =	simm.s32 $0xF038;
	s12 =	simm.s32 $0x100;
	v40 =	vld.idx.msk [tilespmem:v44+s10+$0x0], $0xffff;
	[tilespmem:s9+$0x20] =	vst v61;
	v44 =	vshra.s32 v63, $0x1;
	v24 =	vmul.f32 v22, v49;
	v22 =	vmul.f32 $5.000000000e-01, v63  }
.LBB2_8:
0x120: {  	s12 =	sadd.s32 $0x80, s12;
	v17 =	vld.idx.msk [tilespmem:v17+s28+$0x0], $0xffff;
	v37 =	vmul.f32 v37, v39;
	v39 =	vsub.s32 $0x5F3759DF, v44;
	s2 =	sadd.s32 $0x80, s2;
	v12 =	vmul.f32 v43, v12  }
0x121: {  	v42 =	vsub.f32 $1.500000000e+00, v42;
	v46 =	vmul.f32 v28, v4;
	p2 =	slt.u32 s12, $0x2680;
	v16 =	vld.idx.msk [tilespmem:v16+s10+$0x0], $0xffff;
	v43 =	vmul.f32 v39, v22;
	[tilespmem:s9+$0xFFFFFFC0] =	vst v0  }
0x122: {  	v4 =	vmovc v13;
	v44 =	vld.idx.msk [tilespmem:v30+s28+$0x0], $0xffff;
	v45 =	vshra.s32 v37, $0x1;
	v30 =	vmul.f32 $5.000000000e-01, v37;
	[tilespmem:s9+$0xFFFFFFD0] =	vst v12;
	v12 =	vmul.f32 v32, v21  }
0x123: {  	v0 =	vmovc v24;
	v37 =	vmul.f32 v46, v28;
	v13 =	vld.idx.msk [tilespmem:v36+s10+$0x0], $0xffff;
	v32 =	vsub.s32 $0x5F3759DF, v45;
	v36 =	vmul.f32 v39, v43  }
0x124: {  	v41 =	vmul.f32 v5, v41;
	v24 =	vld.idx.msk [tilespmem:v35+s28+$0x0], $0xffff;
	v35 =	vmul.f32 v32, v30;
	v43 =	vsub.f32 $1.500000000e+00, v12  }
0x125: {  	v15 =	vmul.f32 v38, v15;
	v12 =	vmul.f32 v20, v31;
	v23 =	vld.idx.msk [tilespmem:v23+s10+$0x0], $0xffff;
	v36 =	vsub.f32 $1.500000000e+00, v36  }
0x126: {  	v31 =	vmul.f32 v40, v17;
	v17 =	vsub.f32 $1.500000000e+00, v41;
	v19 =	vld.idx.msk [tilespmem:v19+s28+$0x0], $0xffff;
	v35 =	vmul.f32 v32, v35  }
0x127: {  	v29 =	vmul.f32 v29, v6;
	v33 =	vmul.f32 v33, v34;
	v20 =	vsub.f32 $1.500000000e+00, v37;
	v18 =	vld.idx.msk [tilespmem:v18+s10+$0x0], $0xffff  }
0x128: {  	s7 =	sadd.s32 $0x80, s7;
	v8 =	vmul.f32 v25, v8;
	v34 =	vmul.f32 v16, v44;
	v16 =	vshra.s32 v31, $0x1;
	[tilespmem:s9+$0xFFFFFFF0] =	vst v15  }
0x129: {  	v21 =	vmul.f32 v43, v21;
	v40 =	vsub.s32 $0x5F3759DF, v16;
	v15 =	vshra.s32 v33, $0x1;
	v38 =	vld [tilespmem:s7+$0x20]  }
0x12a: {  	s8 =	sadd.s32 $0x80, s8;
	v20 =	vmul.f32 v20, v28;
	v13 =	vmul.f32 v13, v24;
	v24 =	vshra.s32 v34, $0x1;
	v25 =	vld [tilespmem:s7+$0xFFFFFFC0];
	[tilespmem:s9+$0x10] =	vst v8  }
0x12b: {  	v28 =	vmul.f32 $5.000000000e-01, v34;
	v8 =	vmul.f32 v5, v17;
	v5 =	vsub.s32 $0x5F3759DF, v15;
	v16 =	vld [tilespmem:s8+$0xFFFFFFF0];
	[tilespmem:s9+$0xFFFFFFE0] =	vst v21  }
0x12c: {  	v15 =	vmul.f32 v9, v42;
	v21 =	vshra.s32 v13, $0x1;
	v34 =	vmul.f32 $5.000000000e-01, v13;
	v17 =	vld [tilespmem:s7+$0x0];
	[tilespmem:s9+$0x0] =	vst v20;
	s9 =	smov.u32 s11;
	s11 =	smov.u32 s2  }
0x12d: {  	v11 =	vmul.f32 v18, v11;
	v37 =	vsub.s32 $0x5F3759DF, v21;
	v21 =	vmul.f32 v7, v26;
	v41 =	vld [tilespmem:s8+$0x0]  }
0x12e: {  	v9 =	vsub.s32 $0x5F3759DF, v24;
	v24 =	vmul.f32 v1, v27;
	v13 =	vmul.f32 v23, v19;
	v42 =	vld [tilespmem:s7+$0x10]  }
0x12f: {  	v43 =	vmul.f32 v12, v10;
	v18 =	vshra.s32 v11, $0x1;
	v27 =	vmul.f32 $5.000000000e-01, v11;
	v26 =	vld [tilespmem:s8+$0x30]  }
0x130: {  	v14 =	vmul.f32 v8, v14;
	v10 =	vshra.s32 v13, $0x1;
	v45 =	vsub.s32 $0x5F3759DF, v18;
	v44 =	vld [tilespmem:s7+$0x30]  }
0x131: {  	v47 =	vmul.f32 v39, v36;
	v19 =	vmul.f32 v45, v27;
	v46 =	vld [tilespmem:s8+$0x20]  }
0x132: {  	v20 =	vsub.s32 $0x5F3759DF, v10;
	v10 =	vmul.f32 $5.000000000e-01, v13;
	v13 =	vmul.f32 $5.000000000e-01, v31;
	v11 =	vld.idx.msk [tilespmem:v25+s28+$0x0], $0xffff  }
0x133: {  	v35 =	vsub.f32 $1.500000000e+00, v35;
	v22 =	vmul.f32 v47, v22;
	v25 =	vmul.f32 v45, v19;
	v18 =	vld [tilespmem:s8+$0xFFFFFFC0]  }
0x134: {  	v21 =	vsub.f32 $1.500000000e+00, v21;
	v36 =	vmul.f32 v14, v8;
	v31 =	vmul.f32 v20, v10;
	v19 =	vld [tilespmem:s7+$0xFFFFFFD0]  }
0x135: {  	v48 =	vmul.f32 v9, v28;
	v22 =	vmul.f32 v22, v47;
	v39 =	vsub.f32 $1.500000000e+00, v25;
	v23 =	vld [tilespmem:s8+$0xFFFFFFD0]  }
0x136: {  	v14 =	vmul.f32 $5.000000000e-01, v33;
	v31 =	vmul.f32 v20, v31;
	v25 =	vsub.f32 $1.500000000e+00, v36;
	v49 =	vld [tilespmem:s8+$0x10]  }
0x137: {  	v21 =	vmul.f32 v7, v21;
	v7 =	vmovc v37;
	v45 =	vmul.f32 v45, v39;
	v50 =	vld.idx.msk [tilespmem:v26+s10+$0x0], $0xffff;
	v26 =	vsub.f32 $1.500000000e+00, v29  }
0x138: {  	v33 =	vmul.f32 v32, v35;
	v35 =	vmul.f32 v15, v2;
	v2 =	vmovc v28;
	v31 =	vsub.f32 $1.500000000e+00, v31;
	v44 =	vld.idx.msk [tilespmem:v44+s28+$0x0], $0xffff  }
0x139: {  	v24 =	vsub.f32 $1.500000000e+00, v24;
	v32 =	vmul.f32 v21, v3;
	v3 =	vmovc v34;
	v27 =	vmul.f32 v45, v27;
	v37 =	vld.idx.msk [tilespmem:v46+s10+$0x0], $0xffff  }
0x13a: {  	v22 =	vsub.f32 $1.500000000e+00, v22;
	v29 =	vmul.f32 v33, v30;
	v26 =	vmul.f32 v26, v6;
	v6 =	vmovc v33;
	v39 =	vld.idx.msk [tilespmem:v38+s28+$0x0], $0xffff  }
0x13b: {  	v34 =	vmul.f32 v35, v15;
	v27 =	vmul.f32 v27, v45;
	v30 =	vld [tilespmem:s7+$0xFFFFFFF0]  }
.Ltmp7:
0x13c: {  	v28 =	vmul.f32 v1, v24;
	v1 =	vmov v40;
	v22 =	vmul.f32 v22, v47;
	v36 =	vld [tilespmem:s8+$0xFFFFFFE0];
	[tilespmem:s9+$0x20] =	vst v26;
	(pc) =	sbr.rel @p2 .LBB2_8-.Ltmp7, $4  }
0x13d: {  	v40 =	vmul.f32 v43, v12;
	v24 =	vsub.f32 $1.500000000e+00, v27;
	v26 =	vmul.f32 v7, v3;
	v35 =	vld [tilespmem:s7+$0xFFFFFFE0]  }
0x13e: {  	v38 =	vsub.f32 $1.500000000e+00, v34;
	v27 =	vmul.f32 v1, v13;
	v46 =	vmul.f32 v50, v44;
	v33 =	vld.idx.msk [tilespmem:v49+s10+$0x0], $0xffff;
	[tilespmem:s2+$0x30] =	vst v22  }
0x13f: {  	v43 =	vsub.f32 $1.500000000e+00, v40;
	v24 =	vmul.f32 v24, v45;
	v34 =	vld.idx.msk [tilespmem:v42+s28+$0x0], $0xffff;
	v42 =	vmul.f32 v9, v48  }
0x140: {  	v44 =	vshra.s32 v46, $0x1;
	v22 =	vmul.f32 $5.000000000e-01, v46;
	v40 =	vld.idx.msk [tilespmem:v41+s10+$0x0], $0xffff;
	v41 =	vmul.f32 v5, v14  }
0x141: {  	_ = 	snop  }
0x142: {  	v37 =	vmul.f32 v37, v39;
	v12 =	vmul.f32 v43, v12  }
0x143: {  	v4 =	vmul.f32 v28, v4;
	v32 =	vmul.f32 v32, v21  }
0x144: {  	v20 =	vmul.f32 v20, v31;
	v15 =	vmul.f32 v38, v15  }
0x145: {  	v59 =	vsub.s32 $0x5F3759DF, v44;
	v17 =	vld.idx.msk [tilespmem:v17+s28+$0x0], $0xffff;
	v29 =	vmul.f32 v29, v6;
	v8 =	vmul.f32 v25, v8  }
0x146: {  	v16 =	vld.idx.msk [tilespmem:v16+s10+$0x0], $0xffff;
	v46 =	vmul.f32 v1, v27;
	v60 =	vmul.f32 v59, v22  }
0x147: {  	v30 =	vld.idx.msk [tilespmem:v30+s28+$0x0], $0xffff;
	v42 =	vsub.f32 $1.500000000e+00, v42;
	v41 =	vmul.f32 v5, v41;
	v61 =	vmul.f32 $5.000000000e-01, v37  }
0x148: {  	v36 =	vld.idx.msk [tilespmem:v36+s10+$0x0], $0xffff;
	v37 =	vshra.s32 v37, $0x1;
	v4 =	vmul.f32 v4, v28;
	v32 =	vsub.f32 $1.500000000e+00, v32  }
0x149: {  	v18 =	vld.idx.msk [tilespmem:v18+s10+$0x0], $0xffff;
	v9 =	vmul.f32 v9, v42;
	v10 =	vmul.f32 v20, v10;
	v29 =	vsub.f32 $1.500000000e+00, v29  }
0x14a: {  	v23 =	vld.idx.msk [tilespmem:v23+s10+$0x0], $0xffff;
	v43 =	vmul.f32 v59, v60;
	v37 =	vsub.s32 $0x5F3759DF, v37;
	v33 =	vmul.f32 v33, v34  }
0x14b: {  	v19 =	vld.idx.msk [tilespmem:v19+s28+$0x0], $0xffff;
	v63 =	vmul.f32 v37, v61;
	v21 =	vmul.f32 v32, v21  }
0x14c: {  	v62 =	vld.idx.msk [tilespmem:v35+s28+$0x0], $0xffff;
	v38 =	vsub.f32 $1.500000000e+00, v41;
	v2 =	vmul.f32 v9, v2;
	v56 =	vmul.f32 v29, v6  }
0x14d: {  	v10 =	vmul.f32 v10, v20;
	v17 =	vmul.f32 v40, v17  }
0x14e: {  	v4 =	vsub.f32 $1.500000000e+00, v4;
	v16 =	vmul.f32 v16, v30;
	v5 =	vmul.f32 v5, v38  }
0x14f: {  	v40 =	vsub.f32 $1.500000000e+00, v43;
	v11 =	vmul.f32 v18, v11;
	v43 =	vmul.f32 v7, v26  }
0x150: {  	v19 =	vmul.f32 v23, v19;
	v52 =	vshra.s32 v33, $0x1;
	v33 =	vmul.f32 $5.000000000e-01, v33  }
0x151: {  	v26 =	vsub.f32 $1.500000000e+00, v46;
	v35 =	vmul.f32 v37, v63;
	v31 =	vmul.f32 v36, v62  }
0x152: {  	v4 =	vmul.f32 v4, v28;
	v2 =	vmul.f32 v2, v9;
	v10 =	vsub.f32 $1.500000000e+00, v10  }
0x153: {  	v41 =	vshra.s32 v17, $0x1;
	v32 =	vmul.f32 $5.000000000e-01, v16;
	v16 =	vshra.s32 v16, $0x1  }
0x154: {  	v45 =	vshra.s32 v11, $0x1;
	v11 =	vmul.f32 $5.000000000e-01, v11;
	v14 =	vmul.f32 v5, v14  }
0x155: {  	v48 =	vshra.s32 v19, $0x1;
	v25 =	vmul.f32 v59, v40;
	v19 =	vmul.f32 $5.000000000e-01, v19  }
0x156: {  	v17 =	vmul.f32 $5.000000000e-01, v17;
	v18 =	vsub.f32 $1.500000000e+00, v43;
	v59 =	vmul.f32 v1, v26  }
0x157: {  	v28 =	vsub.s32 $0x5F3759DF, v41;
	v30 =	vmul.f32 $5.000000000e-01, v31;
	v23 =	vsub.s32 $0x5F3759DF, v45  }
0x158: {  	v16 =	vsub.s32 $0x5F3759DF, v16;
	v34 =	vsub.s32 $0x5F3759DF, v48;
	v10 =	vmul.f32 v10, v20  }
0x159: {  	v35 =	vsub.f32 $1.500000000e+00, v35;
	v47 =	vmul.f32 v23, v11;
	v49 =	vmul.f32 v25, v22  }
0x15a: {  	v57 =	vshra.s32 v31, $0x1;
	v50 =	vmul.f32 v34, v19;
	v14 =	vmul.f32 v14, v5  }
0x15b: {  	v2 =	vsub.f32 $1.500000000e+00, v2;
	v51 =	vmul.f32 v16, v32;
	v54 =	vmul.f32 v7, v18  }
0x15c: {  	v58 =	vsub.s32 $0x5F3759DF, v57;
	v62 =	vmul.f32 v28, v17;
	v13 =	vmul.f32 v59, v13  }
0x15d: {  	v55 =	vmul.f32 v37, v35;
	v60 =	vmul.f32 v58, v30  }
0x15e: {  	v2 =	vmul.f32 v2, v9;
	v27 =	vmul.f32 v23, v47  }
0x15f: {  	v22 =	vmul.f32 v49, v25;
	v36 =	vmul.f32 v34, v50  }
0x160: {  	v53 =	vsub.s32 $0x5F3759DF, v52;
	v3 =	vmul.f32 v54, v3;
	v63 =	vmul.f32 v16, v51  }
0x161: {  	v14 =	vsub.f32 $1.500000000e+00, v14;
	v40 =	vmul.f32 v13, v59;
	v46 =	vmul.f32 v28, v62  }
0x162: {  	v35 =	vmul.f32 v55, v61;
	v61 =	vmul.f32 v53, v33;
	v27 =	vsub.f32 $1.500000000e+00, v27  }
0x163: {  	[tilespmem:s9+$0xFFFFFFC0] =	vst v0;
	v45 =	vmul.f32 v58, v60;
	v22 =	vsub.f32 $1.500000000e+00, v22;
	v39 =	vsub.f32 $1.500000000e+00, v36  }
0x164: {  	[tilespmem:s11+$0xFFFFFFC0] =	vst v24;
	v3 =	vmul.f32 v3, v54;
	v43 =	vsub.f32 $1.500000000e+00, v63;
	v5 =	vmul.f32 v14, v5  }
0x165: {  	[tilespmem:s9+$0xFFFFFFD0] =	vst v12;
	v44 =	vsub.f32 $1.500000000e+00, v40;
	v29 =	vmul.f32 v53, v61;
	v42 =	vmul.f32 v35, v55  }
0x166: {  	[tilespmem:s9+$0xFFFFFFF0] =	vst v15;
	v6 =	vsub.f32 $1.500000000e+00, v46;
	v23 =	vmul.f32 v23, v27;
	v22 =	vmul.f32 v22, v25  }
0x167: {  	[tilespmem:s9+$0x10] =	vst v8;
	v7 =	vsub.f32 $1.500000000e+00, v45;
	v0 =	vmul.f32 v34, v39;
	v1 =	vmul.f32 v44, v59  }
0x168: {  	[tilespmem:s9+$0xFFFFFFE0] =	vst v21;
	v3 =	vsub.f32 $1.500000000e+00, v3;
	v48 =	vmul.f32 v16, v43;
	v6 =	vmul.f32 v28, v6  }
0x169: {  	[tilespmem:s11+$0x20] =	vst v56;
	v7 =	vmul.f32 v58, v7;
	v11 =	vmul.f32 v23, v11  }
0x16a: {  	[tilespmem:s9+$0x0] =	vst v4;
	v41 =	vsub.f32 $1.500000000e+00, v29;
	v3 =	vmul.f32 v3, v54;
	v49 =	vmul.f32 v0, v19  }
0x16b: {  	[tilespmem:s11+$0xFFFFFFD0] =	vst v10;
	v50 =	vmul.f32 v48, v32;
	v56 =	vmul.f32 v6, v17  }
0x16c: {  	[tilespmem:s11+$0xFFFFFFF0] =	vst v2;
	v51 =	vsub.f32 $1.500000000e+00, v42;
	v13 =	vmul.f32 v53, v41;
	v11 =	vmul.f32 v11, v23  }
0x16d: {  	s2 =	sadd.s32 $0x80, s2;
	[tilespmem:s11+$0x10] =	vst v5;
	v54 =	vmul.f32 v7, v30;
	v52 =	vmul.f32 v49, v0  }
0x16e: {  	[tilespmem:s2+$0x30] =	vst v22;
	v2 =	vmul.f32 v51, v55;
	v10 =	vmul.f32 v50, v48;
	v53 =	vsub.f32 $1.500000000e+00, v11  }
0x16f: {  	[tilespmem:s11+$0x0] =	vst v1;
	v47 =	vmul.f32 v13, v33;
	v5 =	vmul.f32 v54, v7;
	v55 =	vsub.f32 $1.500000000e+00, v52  }
0x170: {  	[tilespmem:s11+$0xFFFFFFE0] =	vst v3;
	v59 =	vmul.f32 v56, v6;
	v57 =	vsub.f32 $1.500000000e+00, v10;
	v9 =	vmul.f32 v53, v23  }
0x171: {  	[tilespmem:s2+$0x20] =	vst v2;
	v12 =	vmul.f32 v47, v13;
	v60 =	vsub.f32 $1.500000000e+00, v5;
	v0 =	vmul.f32 v55, v0  }
0x172: {  	v61 =	vsub.f32 $1.500000000e+00, v59;
	v1 =	vmul.f32 v57, v48;
	[tilespmem:s2+$0xFFFFFFC0] =	vst v9  }
.Ltmp8:
0x173: {  	v58 =	vsub.f32 $1.500000000e+00, v12;
	v63 =	vmul.f32 v60, v7;
	[tilespmem:s2+$0xFFFFFFD0] =	vst v0;
	(pc) =	sbr.rel .LBB2_13-.Ltmp8, $4  }
0x174: {  	[tilespmem:s2+$0xFFFFFFF0] =	vst v1;
	v0 =	vmul.f32 v61, v6  }
0x175: {  	v62 =	vmul.f32 v58, v13;
	[tilespmem:s2+$0xFFFFFFE0] =	vst v63  }
0x176: {  	[tilespmem:s2+$0x0] =	vst v0  }
0x177: {  	[tilespmem:s2+$0x10] =	vst v62;
	s2 =	simm.s32 $0x278  }
.LBB2_10:
0x178: {  	v0 =	vld [tilespmem:s7+$0x20]  }
0x179: {  	v1 =	vld [tilespmem:s7+$0xFFFFFFC0]  }
0x17a: {  	v2 =	vld [tilespmem:s2+$0xFFFFFFF0]  }
0x17b: {  	v3 =	vld [tilespmem:s7+$0x0]  }
0x17c: {  	v4 =	vld [tilespmem:s2+$0x0]  }
0x17d: {  	v5 =	vld [tilespmem:s7+$0x10]  }
0x17e: {  	v6 =	vld [tilespmem:s2+$0x30]  }
0x17f: {  	v7 =	vld [tilespmem:s7+$0x30]  }
0x180: {  	v8 =	vld [tilespmem:s2+$0x20]  }
0x181: {  	v9 =	vld [tilespmem:s2+$0xFFFFFFC0]  }
0x182: {  	v10 =	vld [tilespmem:s7+$0xFFFFFFD0]  }
0x183: {  	v11 =	vld [tilespmem:s2+$0xFFFFFFD0]  }
0x184: {  	v12 =	vld [tilespmem:s2+$0x10]  }
0x185: {  	v13 =	vld [tilespmem:s7+$0xFFFFFFF0]  }
0x186: {  	v14 =	vld [tilespmem:s2+$0xFFFFFFE0]  }
0x187: {  	v15 =	vld [tilespmem:s7+$0xFFFFFFE0];
	s11 =	simm.s32 $0x2AB8  }
0x188: {  	v16 =	vld [tilespmem:s11+$0x20]  }
0x189: {  	s12 =	simm.s32 $0x5238;
	v17 =	vld [tilespmem:s11+$0xFFFFFFC0]  }
0x18a: {  	v18 =	vld [tilespmem:s12+$0xFFFFFFF0]  }
0x18b: {  	v19 =	vld [tilespmem:s12+$0x0]  }
0x18c: {  	v1 =	vld.idx.msk [tilespmem:v1+s28+$0x0], $0xffff  }
0x18d: {  	v6 =	vld.idx.msk [tilespmem:v6+s10+$0x0], $0xffff  }
0x18e: {  	v7 =	vld.idx.msk [tilespmem:v7+s28+$0x0], $0xffff  }
0x18f: {  	v8 =	vld.idx.msk [tilespmem:v8+s10+$0x0], $0xffff  }
0x190: {  	v0 =	vld.idx.msk [tilespmem:v0+s28+$0x0], $0xffff  }
0x191: {  	v12 =	vld.idx.msk [tilespmem:v12+s10+$0x0], $0xffff  }
0x192: {  	v5 =	vld.idx.msk [tilespmem:v5+s28+$0x0], $0xffff  }
0x193: {  	v4 =	vld.idx.msk [tilespmem:v4+s10+$0x0], $0xffff  }
0x194: {  	v3 =	vld.idx.msk [tilespmem:v3+s28+$0x0], $0xffff  }
0x195: {  	v2 =	vld.idx.msk [tilespmem:v2+s10+$0x0], $0xffff  }
0x196: {  	v13 =	vld.idx.msk [tilespmem:v13+s28+$0x0], $0xffff  }
0x197: {  	v14 =	vld.idx.msk [tilespmem:v14+s10+$0x0], $0xffff  }
0x198: {  	v9 =	vld.idx.msk [tilespmem:v9+s10+$0x0], $0xffff  }
0x199: {  	v15 =	vld.idx.msk [tilespmem:v15+s28+$0x0], $0xffff  }
0x19a: {  	v11 =	vld.idx.msk [tilespmem:v11+s10+$0x0], $0xffff  }
0x19b: {  	v10 =	vld.idx.msk [tilespmem:v10+s28+$0x0], $0xffff  }
0x19c: {  	v26 =	vld [tilespmem:s11+$0x30];
	v6 =	vmul.f32 v6, v7;
	v0 =	vmul.f32 v8, v0  }
0x19d: {  	v21 =	vld [tilespmem:s12+$0x30];
	v1 =	vmul.f32 v9, v1;
	v3 =	vmul.f32 v4, v3  }
0x19e: {  	v29 =	vld [tilespmem:s11+$0xFFFFFFD0];
	v5 =	vmul.f32 v12, v5;
	v2 =	vmul.f32 v2, v13  }
0x19f: {  	v30 =	vld [tilespmem:s12+$0xFFFFFFD0];
	v14 =	vmul.f32 v14, v15;
	v20 =	vshra.s32 v6, $0x1;
	v6 =	vmul.f32 $5.000000000e-01, v6  }
0x1a0: {  	v33 =	vld [tilespmem:s12+$0xFFFFFFE0];
	v10 =	vmul.f32 v11, v10;
	v23 =	vshra.s32 v0, $0x1;
	v20 =	vsub.s32 $0x5F3759DF, v20  }
0x1a1: {  	v9 =	vld [tilespmem:s12+$0x20];
	v0 =	vmul.f32 $5.000000000e-01, v0;
	v4 =	vshra.s32 v1, $0x1;
	v22 =	vmul.f32 v20, v6  }
0x1a2: {  	v34 =	vld [tilespmem:s11+$0xFFFFFFE0];
	v1 =	vmul.f32 $5.000000000e-01, v1;
	v25 =	vmul.f32 $5.000000000e-01, v14;
	v23 =	vsub.s32 $0x5F3759DF, v23  }
0x1a3: {  	v7 =	vld [tilespmem:s11+$0x0];
	v12 =	vsub.s32 $0x5F3759DF, v4;
	v24 =	vmul.f32 v23, v0;
	v22 =	vmul.f32 v20, v22  }
0x1a4: {  	v11 =	vld.idx.msk [tilespmem:v26+s28+$0x0], $0xffff;
	v26 =	vshra.s32 v10, $0x1;
	v4 =	vshra.s32 v3, $0x1;
	v13 =	vmul.f32 v12, v1  }
0x1a5: {  	v8 =	vld [tilespmem:s11+$0x10];
	v31 =	vmul.f32 v23, v24;
	v24 =	vmul.f32 $5.000000000e-01, v2;
	v28 =	vsub.f32 $1.500000000e+00, v22  }
0x1a6: {  	v15 =	vld [tilespmem:s12+$0x10];
	v2 =	vshra.s32 v2, $0x1;
	v22 =	vsub.s32 $0x5F3759DF, v4;
	v4 =	vmul.f32 v12, v13  }
0x1a7: {  	v10 =	vmul.f32 $5.000000000e-01, v10;
	v13 =	vld.idx.msk [tilespmem:v21+s10+$0x0], $0xffff;
	v21 =	vsub.s32 $0x5F3759DF, v2;
	v2 =	vmul.f32 v20, v28  }
0x1a8: {  	v20 =	vsub.f32 $1.500000000e+00, v4;
	v4 =	vmul.f32 $5.000000000e-01, v3;
	v3 =	vld.idx.msk [tilespmem:v16+s28+$0x0], $0xffff;
	v16 =	vsub.s32 $0x5F3759DF, v26  }
0x1a9: {  	v9 =	vld.idx.msk [tilespmem:v9+s10+$0x0], $0xffff;
	v26 =	vsub.f32 $1.500000000e+00, v31;
	v31 =	vmul.f32 v21, v24;
	v28 =	vmul.f32 v16, v10  }
0x1aa: {  	v27 =	vld.idx.msk [tilespmem:v17+s28+$0x0], $0xffff;
	v6 =	vmul.f32 v2, v6;
	v12 =	vmul.f32 v12, v20  }
0x1ab: {  	v32 =	vshra.s32 v5, $0x1;
	v20 =	vld [tilespmem:s11+$0xFFFFFFF0];
	v26 =	vmul.f32 v23, v26;
	v23 =	vmul.f32 $5.000000000e-01, v5  }
0x1ac: {  	v17 =	vld [tilespmem:s12+$0xFFFFFFC0];
	v14 =	vshra.s32 v14, $0x1;
	v6 =	vmul.f32 v6, v2;
	v1 =	vmul.f32 v12, v1  }
0x1ad: {  	v52 =	vld.idx.msk [tilespmem:v34+s28+$0x0], $0xffff;
	v35 =	vsub.s32 $0x5F3759DF, v14;
	v14 =	vmul.f32 v22, v4;
	v28 =	vmul.f32 v16, v28  }
0x1ae: {  	v15 =	vld.idx.msk [tilespmem:v15+s10+$0x0], $0xffff;
	v3 =	vmul.f32 v9, v3;
	v5 =	vsub.f32 $1.500000000e+00, v6;
	v1 =	vmul.f32 v1, v12  }
0x1af: {  	v6 =	vld.idx.msk [tilespmem:v8+s28+$0x0], $0xffff;
	v8 =	vmul.f32 v26, v0;
	v0 =	vmul.f32 v13, v11  }
0x1b0: {  	v32 =	vsub.s32 $0x5F3759DF, v32;
	v9 =	vld.idx.msk [tilespmem:v18+s10+$0x0], $0xffff;
	v13 =	vmul.f32 v35, v25;
	v38 =	vmul.f32 v5, v2  }
0x1b1: {  	v1 =	vsub.f32 $1.500000000e+00, v1;
	v2 =	vld.idx.msk [tilespmem:v7+s28+$0x0], $0xffff;
	v5 =	vshra.s32 v0, $0x1;
	v7 =	vmul.f32 $5.000000000e-01, v0  }
0x1b2: {  	v11 =	vld.idx.msk [tilespmem:v19+s10+$0x0], $0xffff;
	v19 =	vmul.f32 v21, v31;
	v36 =	vmul.f32 $5.000000000e-01, v3;
	v18 =	vsub.s32 $0x5F3759DF, v5  }
0x1b3: {  	v0 =	vmul.f32 v1, v12;
	v1 =	vld.idx.msk [tilespmem:v20+s28+$0x0], $0xffff;
	v5 =	vmul.f32 v18, v7;
	v12 =	vshra.s32 v3, $0x1  }
0x1b4: {  	s7 =	simm.s32 $0x2B38;
	v40 =	vmul.f32 v8, v26;
	v3 =	vld.idx.msk [tilespmem:v33+s10+$0x0], $0xffff;
	v20 =	vmul.f32 v32, v23;
	v31 =	vsub.s32 $0x5F3759DF, v12  }
0x1b5: {  	v39 =	vld [tilespmem:s7+$0x20];
	v12 =	vsub.f32 $1.500000000e+00, v28;
	v6 =	vmul.f32 v15, v6;
	v5 =	vmul.f32 v18, v5  }
0x1b6: {  	v43 =	vld [tilespmem:s7+$0x30];
	v28 =	vmul.f32 v31, v36;
	v20 =	vmul.f32 v32, v20  }
0x1b7: {  	v30 =	vld.idx.msk [tilespmem:v30+s10+$0x0], $0xffff;
	v19 =	vsub.f32 $1.500000000e+00, v19;
	v53 =	vmul.f32 v11, v2;
	v12 =	vmul.f32 v16, v12  }
0x1b8: {  	v11 =	vld.idx.msk [tilespmem:v17+s10+$0x0], $0xffff;
	v15 =	vshra.s32 v6, $0x1;
	v37 =	vsub.f32 $1.500000000e+00, v5;
	v28 =	vmul.f32 v31, v28  }
0x1b9: {  	s8 =	simm.s32 $0x52B8;
	v29 =	vld.idx.msk [tilespmem:v29+s28+$0x0], $0xffff;
	v5 =	vmul.f32 v9, v1;
	v9 =	vsub.f32 $1.500000000e+00, v20;
	v33 =	vmul.f32 v3, v52  }
0x1ba: {  	v44 =	vld [tilespmem:s8+$0x0];
	v1 =	vshra.s32 v53, $0x1;
	v55 =	vmul.f32 v12, v10;
	v45 =	vmul.f32 v18, v37  }
0x1bb: {  	v42 =	vld [tilespmem:s7+$0x10];
	v2 =	vmul.f32 $5.000000000e-01, v5;
	v41 =	vshra.s32 v5, $0x1;
	v8 =	vmul.f32 v32, v9  }
0x1bc: {  	v50 =	vld [tilespmem:s8+$0x10];
	v5 =	vsub.s32 $0x5F3759DF, v15;
	v3 =	vmul.f32 $5.000000000e-01, v33;
	v15 =	vmul.f32 v21, v19  }
0x1bd: {  	v20 =	vld [tilespmem:s7+$0xFFFFFFC0];
	v1 =	vsub.s32 $0x5F3759DF, v1;
	v21 =	vmul.f32 v35, v13;
	v9 =	vmul.f32 v11, v27  }
0x1be: {  	v28 =	vsub.f32 $1.500000000e+00, v28;
	v13 =	vmul.f32 v30, v29;
	v29 =	vmul.f32 v22, v14;
	v30 =	vld [tilespmem:s8+$0x30]  }
0x1bf: {  	v56 =	vld [tilespmem:s8+$0x20];
	v62 =	vmul.f32 v55, v12;
	v11 =	vshra.s32 v9, $0x1;
	v27 =	vmul.f32 $5.000000000e-01, v9  }
0x1c0: {  	v59 =	vld.idx.msk [tilespmem:v43+s28+$0x0], $0xffff;
	v7 =	vmul.f32 v45, v7;
	v23 =	vmul.f32 v8, v23;
	v14 =	vsub.s32 $0x5F3759DF, v11  }
0x1c1: {  	v39 =	vld.idx.msk [tilespmem:v39+s28+$0x0], $0xffff;
	v18 =	vshra.s32 v13, $0x1;
	v10 =	vmul.f32 $5.000000000e-01, v13;
	v19 =	vmul.f32 v14, v27  }
0x1c2: {  	v16 =	vld [tilespmem:s8+$0xFFFFFFF0];
	v13 =	vmul.f32 $5.000000000e-01, v53;
	v21 =	vsub.f32 $1.500000000e+00, v21;
	v24 =	vmul.f32 v15, v24  }
0x1c3: {  	v17 =	vld [tilespmem:s7+$0x0];
	v54 =	vshra.s32 v33, $0x1;
	v48 =	vmul.f32 v7, v45;
	v57 =	vmul.f32 v14, v19  }
0x1c4: {  	v33 =	vld.idx.msk [tilespmem:v50+s10+$0x0], $0xffff;
	v9 =	vsub.s32 $0x5F3759DF, v41;
	v46 =	vmul.f32 v23, v8;
	v21 =	vmul.f32 v35, v21  }
0x1c5: {  	v47 =	vmul.f32 v9, v2;
	v24 =	vmul.f32 v24, v15;
	v11 =	vld.idx.msk [tilespmem:v20+s28+$0x0], $0xffff;
	v37 =	vsub.f32 $1.500000000e+00, v57  }
0x1c6: {  	v20 =	vsub.s32 $0x5F3759DF, v18;
	v32 =	vmul.f32 v21, v25;
	v51 =	vld.idx.msk [tilespmem:v30+s10+$0x0], $0xffff;
	v30 =	vsub.f32 $1.500000000e+00, v40  }
0x1c7: {  	v43 =	vsub.f32 $1.500000000e+00, v62;
	v23 =	vld [tilespmem:s8+$0xFFFFFFD0];
	v58 =	vmul.f32 v20, v10;
	v49 =	vmul.f32 v14, v37  }
0x1c8: {  	v35 =	vld [tilespmem:s7+$0xFFFFFFE0];
	v60 =	vsub.f32 $1.500000000e+00, v48;
	v61 =	vmul.f32 v30, v26;
	v14 =	vmul.f32 $5.000000000e-01, v6  }
0x1c9: {  	v7 =	vsub.s32 $0x5F3759DF, v54;
	v30 =	vld [tilespmem:s7+$0xFFFFFFF0];
	v6 =	vmul.f32 v31, v28;
	v27 =	vmul.f32 v49, v27  }
0x1ca: {  	v45 =	vmul.f32 v60, v45;
	v34 =	vmul.f32 v20, v58;
	v37 =	vld.idx.msk [tilespmem:v56+s10+$0x0], $0xffff;
	v28 =	vsub.f32 $1.500000000e+00, v29  }
0x1cb: {  	v25 =	vsub.f32 $1.500000000e+00, v46;
	v29 =	vmul.f32 v6, v36;
	v36 =	vld [tilespmem:s8+$0xFFFFFFE0];
	v26 =	vmul.f32 v27, v49  }
0x1cc: {  	v31 =	vsub.f32 $1.500000000e+00, v34;
	v34 =	vld.idx.msk [tilespmem:v42+s28+$0x0], $0xffff;
	v42 =	vmul.f32 v9, v47;
	v28 =	vmul.f32 v22, v28  }
0x1cd: {  	s2 =	simm.s32 $0xF038;
	[tilespmem:s9+$0x30] =	vst v38;
	v18 =	vld [tilespmem:s8+$0xFFFFFFC0];
	v63 =	vmul.f32 v51, v59;
	v41 =	vmul.f32 v5, v14;
	v22 =	vsub.f32 $1.500000000e+00, v26  }
0x1ce: {  	v38 =	vsub.f32 $1.500000000e+00, v24;
	v19 =	vld [tilespmem:s7+$0xFFFFFFD0];
	[tilespmem:s2+$0x30] =	vst v45;
	v27 =	vmul.f32 v1, v13;
	v26 =	vmul.f32 v7, v3  }
0x1cf: {  	s12 =	simm.s32 $0x100;
	s11 =	simm.s32 $0xF038;
	v40 =	vld.idx.msk [tilespmem:v44+s10+$0x0], $0xffff;
	[tilespmem:s9+$0x20] =	vst v61;
	v44 =	vshra.s32 v63, $0x1;
	v24 =	vmul.f32 v22, v49;
	v22 =	vmul.f32 $5.000000000e-01, v63  }
.LBB2_11:
0x1d0: {  	s12 =	sadd.s32 $0x80, s12;
	v17 =	vld.idx.msk [tilespmem:v17+s28+$0x0], $0xffff;
	v37 =	vmul.f32 v37, v39;
	v39 =	vsub.s32 $0x5F3759DF, v44;
	s2 =	sadd.s32 $0x80, s2;
	v12 =	vmul.f32 v43, v12  }
0x1d1: {  	v42 =	vsub.f32 $1.500000000e+00, v42;
	v46 =	vmul.f32 v28, v4;
	p2 =	slt.u32 s12, $0x2680;
	v16 =	vld.idx.msk [tilespmem:v16+s10+$0x0], $0xffff;
	v43 =	vmul.f32 v39, v22;
	[tilespmem:s9+$0xFFFFFFC0] =	vst v0  }
0x1d2: {  	v4 =	vmovc v13;
	v44 =	vld.idx.msk [tilespmem:v30+s28+$0x0], $0xffff;
	v45 =	vshra.s32 v37, $0x1;
	v30 =	vmul.f32 $5.000000000e-01, v37;
	[tilespmem:s9+$0xFFFFFFD0] =	vst v12;
	v12 =	vmul.f32 v32, v21  }
0x1d3: {  	v0 =	vmovc v24;
	v37 =	vmul.f32 v46, v28;
	v13 =	vld.idx.msk [tilespmem:v36+s10+$0x0], $0xffff;
	v32 =	vsub.s32 $0x5F3759DF, v45;
	v36 =	vmul.f32 v39, v43  }
0x1d4: {  	v41 =	vmul.f32 v5, v41;
	v24 =	vld.idx.msk [tilespmem:v35+s28+$0x0], $0xffff;
	v35 =	vmul.f32 v32, v30;
	v43 =	vsub.f32 $1.500000000e+00, v12  }
0x1d5: {  	v15 =	vmul.f32 v38, v15;
	v12 =	vmul.f32 v20, v31;
	v23 =	vld.idx.msk [tilespmem:v23+s10+$0x0], $0xffff;
	v36 =	vsub.f32 $1.500000000e+00, v36  }
0x1d6: {  	v31 =	vmul.f32 v40, v17;
	v17 =	vsub.f32 $1.500000000e+00, v41;
	v19 =	vld.idx.msk [tilespmem:v19+s28+$0x0], $0xffff;
	v35 =	vmul.f32 v32, v35  }
0x1d7: {  	v33 =	vmul.f32 v33, v34;
	v29 =	vmul.f32 v29, v6;
	v20 =	vsub.f32 $1.500000000e+00, v37;
	v18 =	vld.idx.msk [tilespmem:v18+s10+$0x0], $0xffff  }
0x1d8: {  	s7 =	sadd.s32 $0x80, s7;
	v8 =	vmul.f32 v25, v8;
	v34 =	vmul.f32 v16, v44;
	v16 =	vshra.s32 v31, $0x1;
	[tilespmem:s9+$0xFFFFFFF0] =	vst v15  }
0x1d9: {  	v21 =	vmul.f32 v43, v21;
	v40 =	vsub.s32 $0x5F3759DF, v16;
	v15 =	vshra.s32 v33, $0x1;
	v38 =	vld [tilespmem:s7+$0x20]  }
0x1da: {  	s8 =	sadd.s32 $0x80, s8;
	v20 =	vmul.f32 v20, v28;
	v13 =	vmul.f32 v13, v24;
	v24 =	vshra.s32 v34, $0x1;
	v25 =	vld [tilespmem:s7+$0xFFFFFFC0];
	[tilespmem:s9+$0x10] =	vst v8  }
0x1db: {  	v28 =	vmul.f32 $5.000000000e-01, v34;
	v8 =	vmul.f32 v5, v17;
	v5 =	vsub.s32 $0x5F3759DF, v15;
	v16 =	vld [tilespmem:s8+$0xFFFFFFF0];
	[tilespmem:s9+$0xFFFFFFE0] =	vst v21  }
0x1dc: {  	v15 =	vmul.f32 v9, v42;
	v21 =	vshra.s32 v13, $0x1;
	v34 =	vmul.f32 $5.000000000e-01, v13;
	v17 =	vld [tilespmem:s7+$0x0];
	[tilespmem:s9+$0x0] =	vst v20;
	s9 =	smov.u32 s11;
	s11 =	smov.u32 s2  }
0x1dd: {  	v11 =	vmul.f32 v18, v11;
	v37 =	vsub.s32 $0x5F3759DF, v21;
	v21 =	vmul.f32 v7, v26;
	v41 =	vld [tilespmem:s8+$0x0]  }
0x1de: {  	v9 =	vsub.s32 $0x5F3759DF, v24;
	v24 =	vmul.f32 v1, v27;
	v13 =	vmul.f32 v23, v19;
	v42 =	vld [tilespmem:s7+$0x10]  }
0x1df: {  	v43 =	vmul.f32 v12, v10;
	v18 =	vshra.s32 v11, $0x1;
	v27 =	vmul.f32 $5.000000000e-01, v11;
	v26 =	vld [tilespmem:s8+$0x30]  }
0x1e0: {  	v14 =	vmul.f32 v8, v14;
	v10 =	vshra.s32 v13, $0x1;
	v45 =	vsub.s32 $0x5F3759DF, v18;
	v44 =	vld [tilespmem:s7+$0x30]  }
0x1e1: {  	v47 =	vmul.f32 v39, v36;
	v19 =	vmul.f32 v45, v27;
	v46 =	vld [tilespmem:s8+$0x20]  }
0x1e2: {  	v20 =	vsub.s32 $0x5F3759DF, v10;
	v10 =	vmul.f32 $5.000000000e-01, v13;
	v13 =	vmul.f32 $5.000000000e-01, v31;
	v11 =	vld.idx.msk [tilespmem:v25+s28+$0x0], $0xffff  }
0x1e3: {  	v35 =	vsub.f32 $1.500000000e+00, v35;
	v22 =	vmul.f32 v47, v22;
	v25 =	vmul.f32 v45, v19;
	v18 =	vld [tilespmem:s8+$0xFFFFFFC0]  }
0x1e4: {  	v21 =	vsub.f32 $1.500000000e+00, v21;
	v36 =	vmul.f32 v14, v8;
	v31 =	vmul.f32 v20, v10;
	v19 =	vld [tilespmem:s7+$0xFFFFFFD0]  }
0x1e5: {  	v48 =	vmul.f32 v9, v28;
	v22 =	vmul.f32 v22, v47;
	v39 =	vsub.f32 $1.500000000e+00, v25;
	v23 =	vld [tilespmem:s8+$0xFFFFFFD0]  }
0x1e6: {  	v14 =	vmul.f32 $5.000000000e-01, v33;
	v31 =	vmul.f32 v20, v31;
	v25 =	vsub.f32 $1.500000000e+00, v36;
	v49 =	vld [tilespmem:s8+$0x10]  }
0x1e7: {  	v21 =	vmul.f32 v7, v21;
	v7 =	vmovc v37;
	v45 =	vmul.f32 v45, v39;
	v50 =	vld.idx.msk [tilespmem:v26+s10+$0x0], $0xffff;
	v26 =	vsub.f32 $1.500000000e+00, v29  }
0x1e8: {  	v33 =	vmul.f32 v32, v35;
	v35 =	vmul.f32 v15, v2;
	v2 =	vmovc v28;
	v31 =	vsub.f32 $1.500000000e+00, v31;
	v44 =	vld.idx.msk [tilespmem:v44+s28+$0x0], $0xffff  }
0x1e9: {  	v24 =	vsub.f32 $1.500000000e+00, v24;
	v32 =	vmul.f32 v21, v3;
	v3 =	vmovc v34;
	v27 =	vmul.f32 v45, v27;
	v37 =	vld.idx.msk [tilespmem:v46+s10+$0x0], $0xffff  }
0x1ea: {  	v22 =	vsub.f32 $1.500000000e+00, v22;
	v29 =	vmul.f32 v33, v30;
	v26 =	vmul.f32 v26, v6;
	v6 =	vmovc v33;
	v39 =	vld.idx.msk [tilespmem:v38+s28+$0x0], $0xffff  }
0x1eb: {  	v34 =	vmul.f32 v35, v15;
	v27 =	vmul.f32 v27, v45;
	v30 =	vld [tilespmem:s7+$0xFFFFFFF0]  }
.Ltmp9:
0x1ec: {  	v28 =	vmul.f32 v1, v24;
	v1 =	vmov v40;
	v22 =	vmul.f32 v22, v47;
	v36 =	vld [tilespmem:s8+$0xFFFFFFE0];
	[tilespmem:s9+$0x20] =	vst v26;
	(pc) =	sbr.rel @p2 .LBB2_11-.Ltmp9, $4  }
0x1ed: {  	v40 =	vmul.f32 v43, v12;
	v24 =	vsub.f32 $1.500000000e+00, v27;
	v26 =	vmul.f32 v7, v3;
	v35 =	vld [tilespmem:s7+$0xFFFFFFE0]  }
0x1ee: {  	v38 =	vsub.f32 $1.500000000e+00, v34;
	v27 =	vmul.f32 v1, v13;
	v46 =	vmul.f32 v50, v44;
	v33 =	vld.idx.msk [tilespmem:v49+s10+$0x0], $0xffff;
	[tilespmem:s2+$0x30] =	vst v22  }
0x1ef: {  	v43 =	vsub.f32 $1.500000000e+00, v40;
	v24 =	vmul.f32 v24, v45;
	v34 =	vld.idx.msk [tilespmem:v42+s28+$0x0], $0xffff;
	v42 =	vmul.f32 v9, v48  }
0x1f0: {  	v44 =	vshra.s32 v46, $0x1;
	v22 =	vmul.f32 $5.000000000e-01, v46;
	v40 =	vld.idx.msk [tilespmem:v41+s10+$0x0], $0xffff;
	v41 =	vmul.f32 v5, v14  }
.Ltmp10:
0x1f1: {  	_ = 	snop;
	(pc) =	sbr.rel .LBB2_12-.Ltmp10, $1  }
0x1f2: {  	_ =	sdelay $0x3  }
.LBB2_14:
0x1f3: {  	_ =	sfence.sel $0x180000  }
0x1f4: {  	[bflag:$0x0] =	sbarrier.arrive $0xFFFF  }
0x1f5: {  	_ =	strace $0x90000047  }
0x1f6: {  	[bflag:$0x2] =	sbarrier.arrive $0xFFFF  }
0x1f7: {  	s0 =	rddreg [dreg:$0x7]  }
0x1f8: {  	s0 =	sadd.s32 @!p0 $0x100000, s0  }
0x1f9: {  	[sflag:s0] =	ssyncadd.tile.s32 @!p0 $0x1;
	_ =	shalt  }
.Lfunc_end2:
_tile_overlayer_lowered:
.L_overlay_start_2:
0x1fa: {  	(tag) =	ssettag $0x2  }
0x1fb: {  	s0 =	rddreg [dreg:$0x0];
	s2 =	stileid.u32  }
0x1fc: {  	s1 =	rddreg [dreg:$0x1];
	p0 =	sne.s32 s2, $0x0  }
0x1fd: {  	s3 =	rddreg [dreg:$0x2];
	[bflag:$0x3] =	sbarrier.arrive $0xFFFF;
	s2 =	simm.s32 @!p0 $0x1C09  }
0x1fe: {  	[timem:s3], [sflag:s2] =	dma.local @!p0 [hbm:s0], s1  }
0x1ff: {  	s0 =	simm.s32 @!p0 $0x9  }
0x200: {  	_ =	swait.ge @!p0 [sflag:s0], s1  }
0x201: {  	s1 =	ssub.s32 @!p0 $0x0, s1;
	[sflag:s0] =	ssyncset.done @!p0 $0x0  }
0x202: {  	[sflag:s0] =	ssyncadd.s32 @!p0 s1  }
0x203: {  	[bflag:$0x3] =	sbarrier.arrive $0xFFFF  }
0x204: {  	_ =	shalt  }

</sc_bundles>
